<compile_context>
chip_gen: v7x
topology: tpu7x:2x2x1
jax: 0.10.2.dev20260603
libtpu: 0.0.44.dev20260713+nightly
codegen_flags: <defaults>
</compile_context>

<pallas_src>
import functools

import jax
import jax.numpy as jnp
from jax import lax
from jax.experimental import pallas as pl
from jax.experimental.pallas import tpu as pltpu
from jax.experimental.pallas import tpu_sc as plsc

CAP = 1_000_000
DIM = 64
K = 32
BLK = 10_000
STEPS = CAP // BLK

def _tc_body(q_ref, keys_ref, dist_ref, idx_ref, d2_ref):
    i = pl.program_id(0)
    q = q_ref[...]
    x = keys_ref[...]
    diff = x - q
    sq = diff * diff
    ones = jnp.ones((1, DIM), jnp.float32)
    d2 = lax.dot_general(ones, sq, (((1,), (1,)), ((), ())),
                         precision=lax.Precision.HIGHEST,
                         preferred_element_type=jnp.float32)
    d2_ref[pl.ds(i, 1), :] = d2

    @pl.when(i == STEPS - 1)
    def _final():
        all_d2 = d2_ref[...]
        inf = jnp.float32(jnp.inf)
        big = jnp.int32(2**30)
        cols = lax.broadcasted_iota(jnp.int32, (1, BLK), 1)

        cm = jnp.min(all_d2, axis=0, keepdims=True)
        sel = []
        for _ in range(K):
            m = jnp.min(cm)
            c = jnp.min(jnp.where(cm == m, cols, big))
            sel.append(c)
            cm = jnp.where(cols == c, inf, cm)

        oh = jnp.concatenate([(cols == c).astype(jnp.float32) for c in sel],
                             axis=0)
        cand = lax.dot_general(all_d2, oh, (((1,), (1,)), ((), ())),
                               precision=lax.Precision.HIGHEST,
                               preferred_element_type=jnp.float32)

        cvec = jnp.concatenate([c.reshape(1, 1) for c in sel], axis=1)
        rows = lax.broadcasted_iota(jnp.int32, (STEPS, K), 0)
        gmat = rows * BLK + cvec
        kiota = lax.broadcasted_iota(jnp.int32, (1, K), 1)
        dvec = jnp.zeros((1, K), jnp.float32)
        ivec = jnp.zeros((1, K), jnp.int32)
        for t in range(K):
            m = jnp.min(cand)
            g = jnp.min(jnp.where(cand == m, gmat, big))
            dvec = jnp.where(kiota == t, m, dvec)
            ivec = jnp.where(kiota == t, g, ivec)
            cand = jnp.where((cand == m) & (gmat == g), inf, cand)
        dist_ref[...] = jnp.sqrt(dvec)
        idx_ref[...] = ivec


_topk_call = pl.pallas_call(
    _tc_body,
    grid=(STEPS,),
    in_specs=[pl.BlockSpec((1, DIM), lambda i: (0, 0)),
              pl.BlockSpec((BLK, DIM), lambda i: (i, 0))],
    out_specs=[pl.BlockSpec((1, K), lambda i: (0, 0)),
               pl.BlockSpec((1, K), lambda i: (0, 0))],
    out_shape=[jax.ShapeDtypeStruct((1, K), jnp.float32),
               jax.ShapeDtypeStruct((1, K), jnp.int32)],
    scratch_shapes=[pltpu.VMEM((STEPS, BLK), jnp.float32)],
    compiler_params=pltpu.CompilerParams(
        dimension_semantics=("arbitrary",)),
)


_NW = 32
_CHUNK = 31_256
_LAST = CAP - (_NW - 1) * _CHUNK


def _usage_apply(buf, idxv, base, size):
    ones16 = jnp.ones((16,), jnp.float32)
    for h in range(K // 16):
        iv = idxv[pl.ds(h * 16, 16)]
        m = (iv >= base) & (iv < base + size)
        loc = jnp.where(m, iv - base, 0)
        plsc.addupdate_scatter(buf, [loc], ones16, mask=m)


def _usage_body(usage_hbm, idx_hbm, out_hbm, buf, idxv):
    c = lax.axis_index("c")
    s = lax.axis_index("s")
    wid = s * 2 + c
    base = wid * _CHUNK
    pltpu.sync_copy(idx_hbm, idxv)

    @pl.when(wid < _NW - 1)
    def _main():
        pltpu.sync_copy(usage_hbm.at[pl.ds(base, _CHUNK)], buf)
        _usage_apply(buf, idxv, base, _CHUNK)
        pltpu.sync_copy(buf, out_hbm.at[pl.ds(base, _CHUNK)])

    @pl.when(wid == _NW - 1)
    def _tail():
        pltpu.sync_copy(usage_hbm.at[pl.ds(base, _LAST)],
                        buf.at[pl.ds(0, _LAST)])
        _usage_apply(buf, idxv, base, _LAST)
        pltpu.sync_copy(buf.at[pl.ds(0, _LAST)],
                        out_hbm.at[pl.ds(base, _LAST)])


@functools.cache
def _usage_call():
    return functools.partial(
        pl.kernel,
        out_type=jax.ShapeDtypeStruct((CAP,), jnp.float32),
        mesh=plsc.VectorSubcoreMesh(core_axis_name="c", subcore_axis_name="s"),
        scratch_types=[pltpu.VMEM((_CHUNK,), jnp.float32),
                       pltpu.VMEM((K,), jnp.int32)],
        compiler_params=pltpu.CompilerParams(needs_layout_passes=False),
    )(_usage_body)


def kernel(query_key, keys, usage, k):
    q2 = query_key.reshape(1, DIM)
    dist2, idx2 = _topk_call(q2, keys)
    topk_d = dist2.reshape(K)
    topk_i = idx2.reshape(K)
    new_usage = _usage_call()(usage, topk_i)
    return topk_d, topk_i, new_usage

# --- scband reference (transcript-rebuilt; emitter-appended) ---
"""Pipeline reference for scband-episodic-memory-89309549953411 (READ-ONLY COPY).

The authoritative reference and input builder live on the scoring server;
editing this copy changes nothing except your own understanding.
"""

import jax, jax.numpy as jnp
import numpy as np

CAPACITY = 1000000
KEY_DIM = 64
TOPK = 32


def setup_inputs(seed: int = 0) -> dict:
    key = jax.random.key(seed)
    k1, k2, k3 = jax.random.split(key, 3)
    query_key = jax.random.normal(k1, (KEY_DIM,), dtype=jnp.float32)
    # learned/state parameters of the memory module
    keys = jax.random.normal(k2, (CAPACITY, KEY_DIM), dtype=jnp.float32)
    usage = jax.random.uniform(k3, (CAPACITY,), dtype=jnp.float32)
    return {"query_key": query_key, "keys": keys, "usage": usage, "k": 32}


def reference(query_key, keys, usage, k):
    # Faithful translation of EpisodicMemory.query with size == capacity:
    # distances = ||keys - query||_2 per row; smallest-k retrieval; usage[indices] += 1
    qk = query_key.reshape(-1)
    diff = keys - qk[None, :]
    distances = jnp.sqrt(jnp.sum(diff * diff, axis=1))
    neg_topk, indices = jax.lax.top_k(-distances, TOPK)  # smallest-k distances
    k_zero = jnp.asarray(k - k, dtype=indices.dtype)
    indices = indices + k_zero
    topk_distances = -neg_topk
    new_usage = usage.at[indices].add(1.0)  # scatter-add usage update
    return topk_distances, indices, new_usage

if __name__ == "__main__":
    import jax
    _d = setup_inputs()
    print(jax.jit(kernel)(*tuple(_d.values())))

</pallas_src>

<mosaic_0001>
#map = affine_map<(d0, d1) -> (0)>
module attributes {stable_mosaic.version = 14 : i64} {
  func.func @_usage_body(%arg0: i32, %arg1: i32, %arg2: memref<1000000xf32, #tpu.memory_space<hbm>>, %arg3: memref<32xi32, #tpu.memory_space<hbm>>, %arg4: memref<1000000xf32, #tpu.memory_space<hbm>>, %arg5: memref<31256xf32, #tpu.memory_space<vmem>>, %arg6: memref<32xi32, #tpu.memory_space<vmem>>) attributes {dimension_semantics = [#tpu.dimension_semantics<core_parallel>, #tpu.dimension_semantics<subcore_parallel>], iteration_bounds = array<i64: 2, 16>, scalar_prefetch = 0 : i64, scratch_operands = 2 : i64, tpu.core_type = #tpu.core_type<sc_vector_subcore>, window_params = [{transform_indices = #map}, {transform_indices = #map}, {transform_indices = #map}]} {
    %mul3A = arith.constant 2 : i32
    %mul3A_0 = arith.muli %arg1, %mul3A : i32
    %add3A = arith.addi %mul3A_0, %arg0 : i32
    %mul3A_1 = arith.constant 31256 : i32
    %mul3A_2 = arith.muli %add3A, %mul3A_1 : i32
    "tpu.region"() ({
      %run_scoped3A = tpu.sem_alloc : memref<!tpu.dma_semaphore, #tpu.memory_space<semaphore_mem>>
      tpu.enqueue_dma source(%arg3 : memref<32xi32, #tpu.memory_space<hbm>>) target(%arg6 : memref<32xi32, #tpu.memory_space<vmem>>) target_semaphore(%run_scoped3A : memref<!tpu.dma_semaphore, #tpu.memory_space<semaphore_mem>>)
      tpu.wait_dma2 semaphore(%run_scoped3A : memref<!tpu.dma_semaphore, #tpu.memory_space<semaphore_mem>>) src(%arg3 : memref<32xi32, #tpu.memory_space<hbm>>) dst(%arg6 : memref<32xi32, #tpu.memory_space<vmem>>)
      tpu.yield
    }) : () -> ()
    %lt3A = arith.constant 31 : i32
    %lt3A_3 = arith.cmpi slt, %add3A, %lt3A : i32
    %convert_element_type3A = arith.extui %lt3A_3 : i1 to i32
    %cond3A = arith.constant 0 : i32
    %cond3A_4 = arith.cmpi ne, %convert_element_type3A, %cond3A : i32
    scf.if %cond3A_4 {
      "tpu.region"() ({
        %run_scoped3A = tpu.sem_alloc : memref<!tpu.dma_semaphore, #tpu.memory_space<semaphore_mem>>
        %dma_start3A = tpu.memref_slice %arg2[%mul3A_2] : memref<1000000xf32, #tpu.memory_space<hbm>> -> memref<31256xf32, #tpu.memory_space<hbm>>
        %dma_start3A_32 = tpu.memref_slice %arg2[%mul3A_2] : memref<1000000xf32, #tpu.memory_space<hbm>> -> memref<31256xf32, #tpu.memory_space<hbm>>
        tpu.enqueue_dma source(%dma_start3A_32 : memref<31256xf32, #tpu.memory_space<hbm>>) target(%arg5 : memref<31256xf32, #tpu.memory_space<vmem>>) target_semaphore(%run_scoped3A : memref<!tpu.dma_semaphore, #tpu.memory_space<semaphore_mem>>)
        %dma_wait3A = tpu.memref_slice %arg2[%mul3A_2] : memref<1000000xf32, #tpu.memory_space<hbm>> -> memref<31256xf32, #tpu.memory_space<hbm>>
        %dma_wait3A_33 = tpu.memref_slice %arg2[%mul3A_2] : memref<1000000xf32, #tpu.memory_space<hbm>> -> memref<31256xf32, #tpu.memory_space<hbm>>
        tpu.wait_dma2 semaphore(%run_scoped3A : memref<!tpu.dma_semaphore, #tpu.memory_space<semaphore_mem>>) src(%dma_wait3A_33 : memref<31256xf32, #tpu.memory_space<hbm>>) dst(%arg5 : memref<31256xf32, #tpu.memory_space<vmem>>)
        tpu.yield
      }) : () -> ()
      %broadcast_in_dim3A = arith.constant 1.000000e+00 : f32
      %broadcast_in_dim3A_9 = vector.broadcast %broadcast_in_dim3A : f32 to vector<16xf32>
      %get3A = arith.constant 0 : index
      %get3A_10 = tpu.vector_load %arg6[%get3A] {strides = array<i32>} : memref<32xi32, #tpu.memory_space<vmem>>, vector<16xi32>,
      %ge3A = vector.broadcast %mul3A_2 : i32 to vector<16xi32>
      %ge3A_11 = arith.cmpi sge, %get3A_10, %ge3A : vector<16xi32>
      %add3A_12 = arith.constant 31256 : i32
      %add3A_13 = arith.addi %mul3A_2, %add3A_12 : i32
      %lt3A_14 = vector.broadcast %add3A_13 : i32 to vector<16xi32>
      %lt3A_15 = arith.cmpi slt, %get3A_10, %lt3A_14 : vector<16xi32>
      %and3A = arith.andi %ge3A_11, %lt3A_15 : vector<16xi1>
      %sub3A = vector.broadcast %mul3A_2 : i32 to vector<16xi32>
      %sub3A_16 = arith.subi %get3A_10, %sub3A : vector<16xi32>
      %jit3A = arith.constant 0 : i32
      %broadcast_in_dim3A_17 = vector.broadcast %jit3A : i32 to vector<16xi32>
      %select_n3A = arith.select %and3A, %sub3A_16, %broadcast_in_dim3A_17 : vector<16xi1>, vector<16xi32>
      tpu.vector_store_idx %arg5[%select_n3A], %broadcast_in_dim3A_9 masked %and3A {add = true} : memref<31256xf32, #tpu.memory_space<vmem>>[vector<16xi32>], vector<16xf32>, vector<16xi1>
      %get3A_18 = arith.constant 16 : index
      %get3A_19 = tpu.vector_load %arg6[%get3A_18] {strides = array<i32>} : memref<32xi32, #tpu.memory_space<vmem>>, vector<16xi32>,
      %ge3A_20 = vector.broadcast %mul3A_2 : i32 to vector<16xi32>
      %ge3A_21 = arith.cmpi sge, %get3A_19, %ge3A_20 : vector<16xi32>
      %add3A_22 = arith.constant 31256 : i32
      %add3A_23 = arith.addi %mul3A_2, %add3A_22 : i32
      %lt3A_24 = vector.broadcast %add3A_23 : i32 to vector<16xi32>
      %lt3A_25 = arith.cmpi slt, %get3A_19, %lt3A_24 : vector<16xi32>
      %and3A_26 = arith.andi %ge3A_21, %lt3A_25 : vector<16xi1>
      %sub3A_27 = vector.broadcast %mul3A_2 : i32 to vector<16xi32>
      %sub3A_28 = arith.subi %get3A_19, %sub3A_27 : vector<16xi32>
      %jit3A_29 = arith.constant 0 : i32
      %broadcast_in_dim3A_30 = vector.broadcast %jit3A_29 : i32 to vector<16xi32>
      %select_n3A_31 = arith.select %and3A_26, %sub3A_28, %broadcast_in_dim3A_30 : vector<16xi1>, vector<16xi32>
      tpu.vector_store_idx %arg5[%select_n3A_31], %broadcast_in_dim3A_9 masked %and3A_26 {add = true} : memref<31256xf32, #tpu.memory_space<vmem>>[vector<16xi32>], vector<16xf32>, vector<16xi1>
      "tpu.region"() ({
        %run_scoped3A = tpu.sem_alloc : memref<!tpu.dma_semaphore, #tpu.memory_space<semaphore_mem>>
        %dma_start3A = tpu.memref_slice %arg4[%mul3A_2] : memref<1000000xf32, #tpu.memory_space<hbm>> -> memref<31256xf32, #tpu.memory_space<hbm>>
        %dma_start3A_32 = tpu.memref_slice %arg4[%mul3A_2] : memref<1000000xf32, #tpu.memory_space<hbm>> -> memref<31256xf32, #tpu.memory_space<hbm>>
        tpu.enqueue_dma source(%arg5 : memref<31256xf32, #tpu.memory_space<vmem>>) target(%dma_start3A_32 : memref<31256xf32, #tpu.memory_space<hbm>>) target_semaphore(%run_scoped3A : memref<!tpu.dma_semaphore, #tpu.memory_space<semaphore_mem>>)
        %dma_wait3A = tpu.memref_slice %arg4[%mul3A_2] : memref<1000000xf32, #tpu.memory_space<hbm>> -> memref<31256xf32, #tpu.memory_space<hbm>>
        %dma_wait3A_33 = tpu.memref_slice %arg4[%mul3A_2] : memref<1000000xf32, #tpu.memory_space<hbm>> -> memref<31256xf32, #tpu.memory_space<hbm>>
        tpu.wait_dma2 semaphore(%run_scoped3A : memref<!tpu.dma_semaphore, #tpu.memory_space<semaphore_mem>>) src(%arg5 : memref<31256xf32, #tpu.memory_space<vmem>>) dst(%dma_wait3A_33 : memref<31256xf32, #tpu.memory_space<hbm>>)
        tpu.yield
      }) : () -> ()
    } else {
    }
    %eq3A = arith.constant 31 : i32
    %eq3A_5 = arith.cmpi eq, %add3A, %eq3A : i32
    %convert_element_type3A_6 = arith.extui %eq3A_5 : i1 to i32
    %cond3A_7 = arith.constant 0 : i32
    %cond3A_8 = arith.cmpi ne, %convert_element_type3A_6, %cond3A_7 : i32
    scf.if %cond3A_8 {
      "tpu.region"() ({
        %run_scoped3A = tpu.sem_alloc : memref<!tpu.dma_semaphore, #tpu.memory_space<semaphore_mem>>
        %dma_start3A = arith.constant 0 : i32
        %dma_start3A_32 = tpu.memref_slice %arg5[%dma_start3A] : memref<31256xf32, #tpu.memory_space<vmem>> -> memref<31064xf32, #tpu.memory_space<vmem>>
        %dma_start3A_33 = tpu.memref_slice %arg2[%mul3A_2] : memref<1000000xf32, #tpu.memory_space<hbm>> -> memref<31064xf32, #tpu.memory_space<hbm>>
        %dma_start3A_34 = arith.constant 0 : i32
        %dma_start3A_35 = tpu.memref_slice %arg5[%dma_start3A_34] : memref<31256xf32, #tpu.memory_space<vmem>> -> memref<31064xf32, #tpu.memory_space<vmem>>
        %dma_start3A_36 = tpu.memref_slice %arg2[%mul3A_2] : memref<1000000xf32, #tpu.memory_space<hbm>> -> memref<31064xf32, #tpu.memory_space<hbm>>
        tpu.enqueue_dma source(%dma_start3A_36 : memref<31064xf32, #tpu.memory_space<hbm>>) target(%dma_start3A_35 : memref<31064xf32, #tpu.memory_space<vmem>>) target_semaphore(%run_scoped3A : memref<!tpu.dma_semaphore, #tpu.memory_space<semaphore_mem>>)
        %dma_wait3A = arith.constant 0 : i32
        %dma_wait3A_37 = tpu.memref_slice %arg5[%dma_wait3A] : memref<31256xf32, #tpu.memory_space<vmem>> -> memref<31064xf32, #tpu.memory_space<vmem>>
        %dma_wait3A_38 = tpu.memref_slice %arg2[%mul3A_2] : memref<1000000xf32, #tpu.memory_space<hbm>> -> memref<31064xf32, #tpu.memory_space<hbm>>
        %dma_wait3A_39 = arith.constant 0 : i32
        %dma_wait3A_40 = tpu.memref_slice %arg5[%dma_wait3A_39] : memref<31256xf32, #tpu.memory_space<vmem>> -> memref<31064xf32, #tpu.memory_space<vmem>>
        %dma_wait3A_41 = tpu.memref_slice %arg2[%mul3A_2] : memref<1000000xf32, #tpu.memory_space<hbm>> -> memref<31064xf32, #tpu.memory_space<hbm>>
        tpu.wait_dma2 semaphore(%run_scoped3A : memref<!tpu.dma_semaphore, #tpu.memory_space<semaphore_mem>>) src(%dma_wait3A_41 : memref<31064xf32, #tpu.memory_space<hbm>>) dst(%dma_wait3A_40 : memref<31064xf32, #tpu.memory_space<vmem>>)
        tpu.yield
      }) : () -> ()
      %broadcast_in_dim3A = arith.constant 1.000000e+00 : f32
      %broadcast_in_dim3A_9 = vector.broadcast %broadcast_in_dim3A : f32 to vector<16xf32>
      %get3A = arith.constant 0 : index
      %get3A_10 = tpu.vector_load %arg6[%get3A] {strides = array<i32>} : memref<32xi32, #tpu.memory_space<vmem>>, vector<16xi32>,
      %ge3A = vector.broadcast %mul3A_2 : i32 to vector<16xi32>
      %ge3A_11 = arith.cmpi sge, %get3A_10, %ge3A : vector<16xi32>
      %add3A_12 = arith.constant 31064 : i32
      %add3A_13 = arith.addi %mul3A_2, %add3A_12 : i32
      %lt3A_14 = vector.broadcast %add3A_13 : i32 to vector<16xi32>
      %lt3A_15 = arith.cmpi slt, %get3A_10, %lt3A_14 : vector<16xi32>
      %and3A = arith.andi %ge3A_11, %lt3A_15 : vector<16xi1>
      %sub3A = vector.broadcast %mul3A_2 : i32 to vector<16xi32>
      %sub3A_16 = arith.subi %get3A_10, %sub3A : vector<16xi32>
      %jit3A = arith.constant 0 : i32
      %broadcast_in_dim3A_17 = vector.broadcast %jit3A : i32 to vector<16xi32>
      %select_n3A = arith.select %and3A, %sub3A_16, %broadcast_in_dim3A_17 : vector<16xi1>, vector<16xi32>
      tpu.vector_store_idx %arg5[%select_n3A], %broadcast_in_dim3A_9 masked %and3A {add = true} : memref<31256xf32, #tpu.memory_space<vmem>>[vector<16xi32>], vector<16xf32>, vector<16xi1>
      %get3A_18 = arith.constant 16 : index
      %get3A_19 = tpu.vector_load %arg6[%get3A_18] {strides = array<i32>} : memref<32xi32, #tpu.memory_space<vmem>>, vector<16xi32>,
      %ge3A_20 = vector.broadcast %mul3A_2 : i32 to vector<16xi32>
      %ge3A_21 = arith.cmpi sge, %get3A_19, %ge3A_20 : vector<16xi32>
      %add3A_22 = arith.constant 31064 : i32
      %add3A_23 = arith.addi %mul3A_2, %add3A_22 : i32
      %lt3A_24 = vector.broadcast %add3A_23 : i32 to vector<16xi32>
      %lt3A_25 = arith.cmpi slt, %get3A_19, %lt3A_24 : vector<16xi32>
      %and3A_26 = arith.andi %ge3A_21, %lt3A_25 : vector<16xi1>
      %sub3A_27 = vector.broadcast %mul3A_2 : i32 to vector<16xi32>
      %sub3A_28 = arith.subi %get3A_19, %sub3A_27 : vector<16xi32>
      %jit3A_29 = arith.constant 0 : i32
      %broadcast_in_dim3A_30 = vector.broadcast %jit3A_29 : i32 to vector<16xi32>
      %select_n3A_31 = arith.select %and3A_26, %sub3A_28, %broadcast_in_dim3A_30 : vector<16xi1>, vector<16xi32>
      tpu.vector_store_idx %arg5[%select_n3A_31], %broadcast_in_dim3A_9 masked %and3A_26 {add = true} : memref<31256xf32, #tpu.memory_space<vmem>>[vector<16xi32>], vector<16xf32>, vector<16xi1>
      "tpu.region"() ({
        %run_scoped3A = tpu.sem_alloc : memref<!tpu.dma_semaphore, #tpu.memory_space<semaphore_mem>>
        %dma_start3A = arith.constant 0 : i32
        %dma_start3A_32 = tpu.memref_slice %arg5[%dma_start3A] : memref<31256xf32, #tpu.memory_space<vmem>> -> memref<31064xf32, #tpu.memory_space<vmem>>
        %dma_start3A_33 = tpu.memref_slice %arg4[%mul3A_2] : memref<1000000xf32, #tpu.memory_space<hbm>> -> memref<31064xf32, #tpu.memory_space<hbm>>
        %dma_start3A_34 = tpu.memref_slice %arg4[%mul3A_2] : memref<1000000xf32, #tpu.memory_space<hbm>> -> memref<31064xf32, #tpu.memory_space<hbm>>
        %dma_start3A_35 = arith.constant 0 : i32
        %dma_start3A_36 = tpu.memref_slice %arg5[%dma_start3A_35] : memref<31256xf32, #tpu.memory_space<vmem>> -> memref<31064xf32, #tpu.memory_space<vmem>>
        tpu.enqueue_dma source(%dma_start3A_36 : memref<31064xf32, #tpu.memory_space<vmem>>) target(%dma_start3A_34 : memref<31064xf32, #tpu.memory_space<hbm>>) target_semaphore(%run_scoped3A : memref<!tpu.dma_semaphore, #tpu.memory_space<semaphore_mem>>)
        %dma_wait3A = arith.constant 0 : i32
        %dma_wait3A_37 = tpu.memref_slice %arg5[%dma_wait3A] : memref<31256xf32, #tpu.memory_space<vmem>> -> memref<31064xf32, #tpu.memory_space<vmem>>
        %dma_wait3A_38 = tpu.memref_slice %arg4[%mul3A_2] : memref<1000000xf32, #tpu.memory_space<hbm>> -> memref<31064xf32, #tpu.memory_space<hbm>>
        %dma_wait3A_39 = tpu.memref_slice %arg4[%mul3A_2] : memref<1000000xf32, #tpu.memory_space<hbm>> -> memref<31064xf32, #tpu.memory_space<hbm>>
        %dma_wait3A_40 = arith.constant 0 : i32
        %dma_wait3A_41 = tpu.memref_slice %arg5[%dma_wait3A_40] : memref<31256xf32, #tpu.memory_space<vmem>> -> memref<31064xf32, #tpu.memory_space<vmem>>
        tpu.wait_dma2 semaphore(%run_scoped3A : memref<!tpu.dma_semaphore, #tpu.memory_space<semaphore_mem>>) src(%dma_wait3A_41 : memref<31064xf32, #tpu.memory_space<vmem>>) dst(%dma_wait3A_39 : memref<31064xf32, #tpu.memory_space<hbm>>)
        tpu.yield
      }) : () -> ()
    } else {
    }
    return
  }
}

module attributes {stable_mosaic.version = 14 : i64} {
  func.func @_tc_body(%arg0: i32, %arg1: memref<1x64xf32, #tpu.memory_space<vmem>>, %arg2: memref<10000x64xf32, #tpu.memory_space<vmem>>, %arg3: memref<1x32xf32, #tpu.memory_space<vmem>>, %arg4: memref<1x32xi32, #tpu.memory_space<vmem>>, %arg5: memref<100x10000xf32, #tpu.memory_space<vmem>>) attributes {dimension_semantics = [#tpu.dimension_semantics<arbitrary>], iteration_bounds = array<i64: 100>, scalar_prefetch = 0 : i64, scratch_operands = 1 : i64, tpu.core_type = #tpu.core_type<tc>, window_params = [{pipeline_mode = #tpu.pipeline_mode<synchronous>, transform_indices = @transform_0, window_bounds = array<i64: 1, 64>}, {transform_indices = @transform_1, window_bounds = array<i64: 10000, 64>}, {pipeline_mode = #tpu.pipeline_mode<synchronous>, transform_indices = @transform_2, window_bounds = array<i64: 1, 32>}, {pipeline_mode = #tpu.pipeline_mode<synchronous>, transform_indices = @transform_3, window_bounds = array<i64: 1, 32>}]} {
    %get3A = arith.constant 0 : index
    %get3A_0 = arith.constant 0 : index
    %get3A_1 = vector.load %arg1[%get3A, %get3A_0] : memref<1x64xf32, #tpu.memory_space<vmem>>, vector<1x64xf32>
    %get3A_2 = arith.constant 0 : index
    %get3A_3 = arith.constant 0 : index
    %get3A_4 = vector.load %arg2[%get3A_2, %get3A_3] : memref<10000x64xf32, #tpu.memory_space<vmem>>, vector<10000x64xf32>
    %sub3A = vector.broadcast %get3A_1 : vector<1x64xf32> to vector<10000x64xf32>
    %sub3A_5 = arith.subf %get3A_4, %sub3A : vector<10000x64xf32>
    %mul3A = arith.mulf %sub3A_5, %sub3A_5 : vector<10000x64xf32>
    %broadcast_in_dim3A = arith.constant 1.000000e+00 : f32
    %broadcast_in_dim3A_6 = vector.broadcast %broadcast_in_dim3A : f32 to vector<1x64xf32>
    %dot_general3A = arith.constant dense<0.000000e+00> : vector<1x10000xf32>
    %dot_general3A_7 = tpu.matmul %broadcast_in_dim3A_6, %mul3A, %dot_general3A {dimension_numbers = #tpu.dot_dimension_numbers<[1], [1], [0], [0], [0, 0, 1, 0], [], []>, precision = #tpu.contract_precision<fp32>, transpose_lhs_hint = false} : vector<1x64xf32>, vector<10000x64xf32>, vector<1x10000xf32> -> vector<1x10000xf32>
    %swap3A = arith.index_cast %arg0 : i32 to index
    %swap3A_8 = arith.constant 0 : index
    %swap3A_9 = vector.load %arg5[%swap3A, %swap3A_8] : memref<100x10000xf32, #tpu.memory_space<vmem>>, vector<1x10000xf32>
    tpu.vector_store %arg5[%swap3A, %swap3A_8], %dot_general3A_7 {strides = array<i32>} : memref<100x10000xf32, #tpu.memory_space<vmem>>, vector<1x10000xf32>,
    %eq3A = arith.constant 99 : i32
    %eq3A_10 = arith.cmpi eq, %arg0, %eq3A : i32
    %convert_element_type3A = arith.extui %eq3A_10 : i1 to i32
    %cond3A = arith.constant 0 : i32
    %cond3A_11 = arith.cmpi ne, %convert_element_type3A, %cond3A : i32
    scf.if %cond3A_11 {
      %get3A_12 = arith.constant 0 : index
      %get3A_13 = arith.constant 0 : index
      %get3A_14 = vector.load %arg5[%get3A_12, %get3A_13] : memref<100x10000xf32, #tpu.memory_space<vmem>>, vector<100x10000xf32>
      %iota3A = tpu.iota {dimensions = array<i32: 1>} : vector<1x10000xi32>
      %reduce_min3A = arith.constant dense<0x7F800000> : vector<10000xf32>
      %reduce_min3A_15 = vector.multi_reduction <minimumf>, %get3A_14, %reduce_min3A [0] : vector<100x10000xf32> to vector<10000xf32>
      %broadcast_in_dim3A_16 = vector.shape_cast %reduce_min3A_15 : vector<10000xf32> to vector<1x10000xf32>
      %reduce_min3A_17 = vector.shape_cast %broadcast_in_dim3A_16 : vector<1x10000xf32> to vector<1x1x10000xf32>
      %reduce_min3A_18 = arith.constant dense<0x7F800000> : vector<1xf32>
      %reduce_min3A_19 = vector.multi_reduction <minimumf>, %reduce_min3A_17, %reduce_min3A_18 [1, 2] : vector<1x1x10000xf32> to vector<1xf32>
      %reduce_min3A_20 = vector.shape_cast %reduce_min3A_19 : vector<1xf32> to vector<1x1x1xf32>
      %reduce_min3A_21 = vector.extract %reduce_min3A_20[0, 0, 0] : f32 from vector<1x1x1xf32>
      %eq3A_22 = vector.broadcast %reduce_min3A_21 : f32 to vector<1x10000xf32>
      %eq3A_23 = arith.cmpf oeq, %broadcast_in_dim3A_16, %eq3A_22 : vector<1x10000xf32>
      %jit3A = arith.constant 1073741824 : i32
      %broadcast_in_dim3A_24 = vector.broadcast %jit3A : i32 to vector<1x10000xi32>
      %select_n3A = arith.select %eq3A_23, %iota3A, %broadcast_in_dim3A_24 : vector<1x10000xi1>, vector<1x10000xi32>
      %reduce_min3A_25 = vector.shape_cast %select_n3A : vector<1x10000xi32> to vector<1x1x10000xi32>
      %reduce_min3A_26 = arith.constant dense<2147483647> : vector<1xi32>
      %reduce_min3A_27 = vector.multi_reduction <minsi>, %reduce_min3A_25, %reduce_min3A_26 [1, 2] : vector<1x1x10000xi32> to vector<1xi32>
      %reduce_min3A_28 = vector.shape_cast %reduce_min3A_27 : vector<1xi32> to vector<1x1x1xi32>
      %reduce_min3A_29 = vector.extract %reduce_min3A_28[0, 0, 0] : i32 from vector<1x1x1xi32>
      %eq3A_30 = vector.broadcast %reduce_min3A_29 : i32 to vector<1x10000xi32>
      %eq3A_31 = arith.cmpi eq, %iota3A, %eq3A_30 : vector<1x10000xi32>
      %jit3A_32 = arith.constant 0x7F800000 : f32
      %broadcast_in_dim3A_33 = vector.broadcast %jit3A_32 : f32 to vector<1x10000xf32>
      %select_n3A_34 = arith.select %eq3A_31, %broadcast_in_dim3A_33, %broadcast_in_dim3A_16 : vector<1x10000xi1>, vector<1x10000xf32>
      %reduce_min3A_35 = vector.shape_cast %select_n3A_34 : vector<1x10000xf32> to vector<1x1x10000xf32>
      %reduce_min3A_36 = arith.constant dense<0x7F800000> : vector<1xf32>
      %reduce_min3A_37 = vector.multi_reduction <minimumf>, %reduce_min3A_35, %reduce_min3A_36 [1, 2] : vector<1x1x10000xf32> to vector<1xf32>
      %reduce_min3A_38 = vector.shape_cast %reduce_min3A_37 : vector<1xf32> to vector<1x1x1xf32>
      %reduce_min3A_39 = vector.extract %reduce_min3A_38[0, 0, 0] : f32 from vector<1x1x1xf32>
      %eq3A_40 = vector.broadcast %reduce_min3A_39 : f32 to vector<1x10000xf32>
      %eq3A_41 = arith.cmpf oeq, %select_n3A_34, %eq3A_40 : vector<1x10000xf32>
      %jit3A_42 = arith.constant 1073741824 : i32
      %broadcast_in_dim3A_43 = vector.broadcast %jit3A_42 : i32 to vector<1x10000xi32>
      %select_n3A_44 = arith.select %eq3A_41, %iota3A, %broadcast_in_dim3A_43 : vector<1x10000xi1>, vector<1x10000xi32>
      %reduce_min3A_45 = vector.shape_cast %select_n3A_44 : vector<1x10000xi32> to vector<1x1x10000xi32>
      %reduce_min3A_46 = arith.constant dense<2147483647> : vector<1xi32>
      %reduce_min3A_47 = vector.multi_reduction <minsi>, %reduce_min3A_45, %reduce_min3A_46 [1, 2] : vector<1x1x10000xi32> to vector<1xi32>
      %reduce_min3A_48 = vector.shape_cast %reduce_min3A_47 : vector<1xi32> to vector<1x1x1xi32>
      %reduce_min3A_49 = vector.extract %reduce_min3A_48[0, 0, 0] : i32 from vector<1x1x1xi32>
      %eq3A_50 = vector.broadcast %reduce_min3A_49 : i32 to vector<1x10000xi32>
      %eq3A_51 = arith.cmpi eq, %iota3A, %eq3A_50 : vector<1x10000xi32>
      %jit3A_52 = arith.constant 0x7F800000 : f32
      %broadcast_in_dim3A_53 = vector.broadcast %jit3A_52 : f32 to vector<1x10000xf32>
      %select_n3A_54 = arith.select %eq3A_51, %broadcast_in_dim3A_53, %select_n3A_34 : vector<1x10000xi1>, vector<1x10000xf32>
      %reduce_min3A_55 = vector.shape_cast %select_n3A_54 : vector<1x10000xf32> to vector<1x1x10000xf32>
      %reduce_min3A_56 = arith.constant dense<0x7F800000> : vector<1xf32>
      %reduce_min3A_57 = vector.multi_reduction <minimumf>, %reduce_min3A_55, %reduce_min3A_56 [1, 2] : vector<1x1x10000xf32> to vector<1xf32>
      %reduce_min3A_58 = vector.shape_cast %reduce_min3A_57 : vector<1xf32> to vector<1x1x1xf32>
      %reduce_min3A_59 = vector.extract %reduce_min3A_58[0, 0, 0] : f32 from vector<1x1x1xf32>
      %eq3A_60 = vector.broadcast %reduce_min3A_59 : f32 to vector<1x10000xf32>
      %eq3A_61 = arith.cmpf oeq, %select_n3A_54, %eq3A_60 : vector<1x10000xf32>
      %jit3A_62 = arith.constant 1073741824 : i32
      %broadcast_in_dim3A_63 = vector.broadcast %jit3A_62 : i32 to vector<1x10000xi32>
      %select_n3A_64 = arith.select %eq3A_61, %iota3A, %broadcast_in_dim3A_63 : vector<1x10000xi1>, vector<1x10000xi32>
      %reduce_min3A_65 = vector.shape_cast %select_n3A_64 : vector<1x10000xi32> to vector<1x1x10000xi32>
      %reduce_min3A_66 = arith.constant dense<2147483647> : vector<1xi32>
      %reduce_min3A_67 = vector.multi_reduction <minsi>, %reduce_min3A_65, %reduce_min3A_66 [1, 2] : vector<1x1x10000xi32> to vector<1xi32>
      %reduce_min3A_68 = vector.shape_cast %reduce_min3A_67 : vector<1xi32> to vector<1x1x1xi32>
      %reduce_min3A_69 = vector.extract %reduce_min3A_68[0, 0, 0] : i32 from vector<1x1x1xi32>
      %eq3A_70 = vector.broadcast %reduce_min3A_69 : i32 to vector<1x10000xi32>
      %eq3A_71 = arith.cmpi eq, %iota3A, %eq3A_70 : vector<1x10000xi32>
      %jit3A_72 = arith.constant 0x7F800000 : f32
      %broadcast_in_dim3A_73 = vector.broadcast %jit3A_72 : f32 to vector<1x10000xf32>
      %select_n3A_74 = arith.select %eq3A_71, %broadcast_in_dim3A_73, %select_n3A_54 : vector<1x10000xi1>, vector<1x10000xf32>
      %reduce_min3A_75 = vector.shape_cast %select_n3A_74 : vector<1x10000xf32> to vector<1x1x10000xf32>
      %reduce_min3A_76 = arith.constant dense<0x7F800000> : vector<1xf32>
      %reduce_min3A_77 = vector.multi_reduction <minimumf>, %reduce_min3A_75, %reduce_min3A_76 [1, 2] : vector<1x1x10000xf32> to vector<1xf32>
      %reduce_min3A_78 = vector.shape_cast %reduce_min3A_77 : vector<1xf32> to vector<1x1x1xf32>
      %reduce_min3A_79 = vector.extract %reduce_min3A_78[0, 0, 0] : f32 from vector<1x1x1xf32>
      %eq3A_80 = vector.broadcast %reduce_min3A_79 : f32 to vector<1x10000xf32>
      %eq3A_81 = arith.cmpf oeq, %select_n3A_74, %eq3A_80 : vector<1x10000xf32>
      %jit3A_82 = arith.constant 1073741824 : i32
      %broadcast_in_dim3A_83 = vector.broadcast %jit3A_82 : i32 to vector<1x10000xi32>
      %select_n3A_84 = arith.select %eq3A_81, %iota3A, %broadcast_in_dim3A_83 : vector<1x10000xi1>, vector<1x10000xi32>
      %reduce_min3A_85 = vector.shape_cast %select_n3A_84 : vector<1x10000xi32> to vector<1x1x10000xi32>
      %reduce_min3A_86 = arith.constant dense<2147483647> : vector<1xi32>
      %reduce_min3A_87 = vector.multi_reduction <minsi>, %reduce_min3A_85, %reduce_min3A_86 [1, 2] : vector<1x1x10000xi32> to vector<1xi32>
      %reduce_min3A_88 = vector.shape_cast %reduce_min3A_87 : vector<1xi32> to vector<1x1x1xi32>
      %reduce_min3A_89 = vector.extract %reduce_min3A_88[0, 0, 0] : i32 from vector<1x1x1xi32>
      %eq3A_90 = vector.broadcast %reduce_min3A_89 : i32 to vector<1x10000xi32>
      %eq3A_91 = arith.cmpi eq, %iota3A, %eq3A_90 : vector<1x10000xi32>
      %jit3A_92 = arith.constant 0x7F800000 : f32
      %broadcast_in_dim3A_93 = vector.broadcast %jit3A_92 : f32 to vector<1x10000xf32>
      %select_n3A_94 = arith.select %eq3A_91, %broadcast_in_dim3A_93, %select_n3A_74 : vector<1x10000xi1>, vector<1x10000xf32>
      %reduce_min3A_95 = vector.shape_cast %select_n3A_94 : vector<1x10000xf32> to vector<1x1x10000xf32>
      %reduce_min3A_96 = arith.constant dense<0x7F800000> : vector<1xf32>
      %reduce_min3A_97 = vector.multi_reduction <minimumf>, %reduce_min3A_95, %reduce_min3A_96 [1, 2] : vector<1x1x10000xf32> to vector<1xf32>
      %reduce_min3A_98 = vector.shape_cast %reduce_min3A_97 : vector<1xf32> to vector<1x1x1xf32>
      %reduce_min3A_99 = vector.extract %reduce_min3A_98[0, 0, 0] : f32 from vector<1x1x1xf32>
      %eq3A_100 = vector.broadcast %reduce_min3A_99 : f32 to vector<1x10000xf32>
      %eq3A_101 = arith.cmpf oeq, %select_n3A_94, %eq3A_100 : vector<1x10000xf32>
      %jit3A_102 = arith.constant 1073741824 : i32
      %broadcast_in_dim3A_103 = vector.broadcast %jit3A_102 : i32 to vector<1x10000xi32>
      %select_n3A_104 = arith.select %eq3A_101, %iota3A, %broadcast_in_dim3A_103 : vector<1x10000xi1>, vector<1x10000xi32>
      %reduce_min3A_105 = vector.shape_cast %select_n3A_104 : vector<1x10000xi32> to vector<1x1x10000xi32>
      %reduce_min3A_106 = arith.constant dense<2147483647> : vector<1xi32>
      %reduce_min3A_107 = vector.multi_reduction <minsi>, %reduce_min3A_105, %reduce_min3A_106 [1, 2] : vector<1x1x10000xi32> to vector<1xi32>
      %reduce_min3A_108 = vector.shape_cast %reduce_min3A_107 : vector<1xi32> to vector<1x1x1xi32>
      %reduce_min3A_109 = vector.extract %reduce_min3A_108[0, 0, 0] : i32 from vector<1x1x1xi32>
      %eq3A_110 = vector.broadcast %reduce_min3A_109 : i32 to vector<1x10000xi32>
      %eq3A_111 = arith.cmpi eq, %iota3A, %eq3A_110 : vector<1x10000xi32>
      %jit3A_112 = arith.constant 0x7F800000 : f32
      %broadcast_in_dim3A_113 = vector.broadcast %jit3A_112 : f32 to vector<1x10000xf32>
      %select_n3A_114 = arith.select %eq3A_111, %broadcast_in_dim3A_113, %select_n3A_94 : vector<1x10000xi1>, vector<1x10000xf32>
      %reduce_min3A_115 = vector.shape_cast %select_n3A_114 : vector<1x10000xf32> to vector<1x1x10000xf32>
      %reduce_min3A_116 = arith.constant dense<0x7F800000> : vector<1xf32>
      %reduce_min3A_117 = vector.multi_reduction <minimumf>, %reduce_min3A_115, %reduce_min3A_116 [1, 2] : vector<1x1x10000xf32> to vector<1xf32>
      %reduce_min3A_118 = vector.shape_cast %reduce_min3A_117 : vector<1xf32> to vector<1x1x1xf32>
      %reduce_min3A_119 = vector.extract %reduce_min3A_118[0, 0, 0] : f32 from vector<1x1x1xf32>
      %eq3A_120 = vector.broadcast %reduce_min3A_119 : f32 to vector<1x10000xf32>
      %eq3A_121 = arith.cmpf oeq, %select_n3A_114, %eq3A_120 : vector<1x10000xf32>
      %jit3A_122 = arith.constant 1073741824 : i32
      %broadcast_in_dim3A_123 = vector.broadcast %jit3A_122 : i32 to vector<1x10000xi32>
      %select_n3A_124 = arith.select %eq3A_121, %iota3A, %broadcast_in_dim3A_123 : vector<1x10000xi1>, vector<1x10000xi32>
      %reduce_min3A_125 = vector.shape_cast %select_n3A_124 : vector<1x10000xi32> to vector<1x1x10000xi32>
      %reduce_min3A_126 = arith.constant dense<2147483647> : vector<1xi32>
      %reduce_min3A_127 = vector.multi_reduction <minsi>, %reduce_min3A_125, %reduce_min3A_126 [1, 2] : vector<1x1x10000xi32> to vector<1xi32>
      %reduce_min3A_128 = vector.shape_cast %reduce_min3A_127 : vector<1xi32> to vector<1x1x1xi32>
      %reduce_min3A_129 = vector.extract %reduce_min3A_128[0, 0, 0] : i32 from vector<1x1x1xi32>
      %eq3A_130 = vector.broadcast %reduce_min3A_129 : i32 to vector<1x10000xi32>
      %eq3A_131 = arith.cmpi eq, %iota3A, %eq3A_130 : vector<1x10000xi32>
      %jit3A_132 = arith.constant 0x7F800000 : f32
      %broadcast_in_dim3A_133 = vector.broadcast %jit3A_132 : f32 to vector<1x10000xf32>
      %select_n3A_134 = arith.select %eq3A_131, %broadcast_in_dim3A_133, %select_n3A_114 : vector<1x10000xi1>, vector<1x10000xf32>
      %reduce_min3A_135 = vector.shape_cast %select_n3A_134 : vector<1x10000xf32> to vector<1x1x10000xf32>
      %reduce_min3A_136 = arith.constant dense<0x7F800000> : vector<1xf32>
      %reduce_min3A_137 = vector.multi_reduction <minimumf>, %reduce_min3A_135, %reduce_min3A_136 [1, 2] : vector<1x1x10000xf32> to vector<1xf32>
      %reduce_min3A_138 = vector.shape_cast %reduce_min3A_137 : vector<1xf32> to vector<1x1x1xf32>
      %reduce_min3A_139 = vector.extract %reduce_min3A_138[0, 0, 0] : f32 from vector<1x1x1xf32>
      %eq3A_140 = vector.broadcast %reduce_min3A_139 : f32 to vector<1x10000xf32>
      %eq3A_141 = arith.cmpf oeq, %select_n3A_134, %eq3A_140 : vector<1x10000xf32>
      %jit3A_142 = arith.constant 1073741824 : i32
      %broadcast_in_dim3A_143 = vector.broadcast %jit3A_142 : i32 to vector<1x10000xi32>
      %select_n3A_144 = arith.select %eq3A_141, %iota3A, %broadcast_in_dim3A_143 : vector<1x10000xi1>, vector<1x10000xi32>
      %reduce_min3A_145 = vector.shape_cast %select_n3A_144 : vector<1x10000xi32> to vector<1x1x10000xi32>
      %reduce_min3A_146 = arith.constant dense<2147483647> : vector<1xi32>
      %reduce_min3A_147 = vector.multi_reduction <minsi>, %reduce_min3A_145, %reduce_min3A_146 [1, 2] : vector<1x1x10000xi32> to vector<1xi32>
      %reduce_min3A_148 = vector.shape_cast %reduce_min3A_147 : vector<1xi32> to vector<1x1x1xi32>
      %reduce_min3A_149 = vector.extract %reduce_min3A_148[0, 0, 0] : i32 from vector<1x1x1xi32>
      %eq3A_150 = vector.broadcast %reduce_min3A_149 : i32 to vector<1x10000xi32>
      %eq3A_151 = arith.cmpi eq, %iota3A, %eq3A_150 : vector<1x10000xi32>
      %jit3A_152 = arith.constant 0x7F800000 : f32
      %broadcast_in_dim3A_153 = vector.broadcast %jit3A_152 : f32 to vector<1x10000xf32>
      %select_n3A_154 = arith.select %eq3A_151, %broadcast_in_dim3A_153, %select_n3A_134 : vector<1x10000xi1>, vector<1x10000xf32>
      %reduce_min3A_155 = vector.shape_cast %select_n3A_154 : vector<1x10000xf32> to vector<1x1x10000xf32>
      %reduce_min3A_156 = arith.constant dense<0x7F800000> : vector<1xf32>
      %reduce_min3A_157 = vector.multi_reduction <minimumf>, %reduce_min3A_155, %reduce_min3A_156 [1, 2] : vector<1x1x10000xf32> to vector<1xf32>
      %reduce_min3A_158 = vector.shape_cast %reduce_min3A_157 : vector<1xf32> to vector<1x1x1xf32>
      %reduce_min3A_159 = vector.extract %reduce_min3A_158[0, 0, 0] : f32 from vector<1x1x1xf32>
      %eq3A_160 = vector.broadcast %reduce_min3A_159 : f32 to vector<1x10000xf32>
      %eq3A_161 = arith.cmpf oeq, %select_n3A_154, %eq3A_160 : vector<1x10000xf32>
      %jit3A_162 = arith.constant 1073741824 : i32
      %broadcast_in_dim3A_163 = vector.broadcast %jit3A_162 : i32 to vector<1x10000xi32>
      %select_n3A_164 = arith.select %eq3A_161, %iota3A, %broadcast_in_dim3A_163 : vector<1x10000xi1>, vector<1x10000xi32>
      %reduce_min3A_165 = vector.shape_cast %select_n3A_164 : vector<1x10000xi32> to vector<1x1x10000xi32>
      %reduce_min3A_166 = arith.constant dense<2147483647> : vector<1xi32>
      %reduce_min3A_167 = vector.multi_reduction <minsi>, %reduce_min3A_165, %reduce_min3A_166 [1, 2] : vector<1x1x10000xi32> to vector<1xi32>
      %reduce_min3A_168 = vector.shape_cast %reduce_min3A_167 : vector<1xi32> to vector<1x1x1xi32>
      %reduce_min3A_169 = vector.extract %reduce_min3A_168[0, 0, 0] : i32 from vector<1x1x1xi32>
      %eq3A_170 = vector.broadcast %reduce_min3A_169 : i32 to vector<1x10000xi32>
      %eq3A_171 = arith.cmpi eq, %iota3A, %eq3A_170 : vector<1x10000xi32>
      %jit3A_172 = arith.constant 0x7F800000 : f32
      %broadcast_in_dim3A_173 = vector.broadcast %jit3A_172 : f32 to vector<1x10000xf32>
      %select_n3A_174 = arith.select %eq3A_171, %broadcast_in_dim3A_173, %select_n3A_154 : vector<1x10000xi1>, vector<1x10000xf32>
      %reduce_min3A_175 = vector.shape_cast %select_n3A_174 : vector<1x10000xf32> to vector<1x1x10000xf32>
      %reduce_min3A_176 = arith.constant dense<0x7F800000> : vector<1xf32>
      %reduce_min3A_177 = vector.multi_reduction <minimumf>, %reduce_min3A_175, %reduce_min3A_176 [1, 2] : vector<1x1x10000xf32> to vector<1xf32>
      %reduce_min3A_178 = vector.shape_cast %reduce_min3A_177 : vector<1xf32> to vector<1x1x1xf32>
      %reduce_min3A_179 = vector.extract %reduce_min3A_178[0, 0, 0] : f32 from vector<1x1x1xf32>
      %eq3A_180 = vector.broadcast %reduce_min3A_179 : f32 to vector<1x10000xf32>
      %eq3A_181 = arith.cmpf oeq, %select_n3A_174, %eq3A_180 : vector<1x10000xf32>
      %jit3A_182 = arith.constant 1073741824 : i32
      %broadcast_in_dim3A_183 = vector.broadcast %jit3A_182 : i32 to vector<1x10000xi32>
      %select_n3A_184 = arith.select %eq3A_181, %iota3A, %broadcast_in_dim3A_183 : vector<1x10000xi1>, vector<1x10000xi32>
      %reduce_min3A_185 = vector.shape_cast %select_n3A_184 : vector<1x10000xi32> to vector<1x1x10000xi32>
      %reduce_min3A_186 = arith.constant dense<2147483647> : vector<1xi32>
      %reduce_min3A_187 = vector.multi_reduction <minsi>, %reduce_min3A_185, %reduce_min3A_186 [1, 2] : vector<1x1x10000xi32> to vector<1xi32>
      %reduce_min3A_188 = vector.shape_cast %reduce_min3A_187 : vector<1xi32> to vector<1x1x1xi32>
      %reduce_min3A_189 = vector.extract %reduce_min3A_188[0, 0, 0] : i32 from vector<1x1x1xi32>
      %eq3A_190 = vector.broadcast %reduce_min3A_189 : i32 to vector<1x10000xi32>
      %eq3A_191 = arith.cmpi eq, %iota3A, %eq3A_190 : vector<1x10000xi32>
      %jit3A_192 = arith.constant 0x7F800000 : f32
      %broadcast_in_dim3A_193 = vector.broadcast %jit3A_192 : f32 to vector<1x10000xf32>
      %select_n3A_194 = arith.select %eq3A_191, %broadcast_in_dim3A_193, %select_n3A_174 : vector<1x10000xi1>, vector<1x10000xf32>
      %reduce_min3A_195 = vector.shape_cast %select_n3A_194 : vector<1x10000xf32> to vector<1x1x10000xf32>
      %reduce_min3A_196 = arith.constant dense<0x7F800000> : vector<1xf32>
      %reduce_min3A_197 = vector.multi_reduction <minimumf>, %reduce_min3A_195, %reduce_min3A_196 [1, 2] : vector<1x1x10000xf32> to vector<1xf32>
      %reduce_min3A_198 = vector.shape_cast %reduce_min3A_197 : vector<1xf32> to vector<1x1x1xf32>
      %reduce_min3A_199 = vector.extract %reduce_min3A_198[0, 0, 0] : f32 from vector<1x1x1xf32>
      %eq3A_200 = vector.broadcast %reduce_min3A_199 : f32 to vector<1x10000xf32>
      %eq3A_201 = arith.cmpf oeq, %select_n3A_194, %eq3A_200 : vector<1x10000xf32>
      %jit3A_202 = arith.constant 1073741824 : i32
      %broadcast_in_dim3A_203 = vector.broadcast %jit3A_202 : i32 to vector<1x10000xi32>
      %select_n3A_204 = arith.select %eq3A_201, %iota3A, %broadcast_in_dim3A_203 : vector<1x10000xi1>, vector<1x10000xi32>
      %reduce_min3A_205 = vector.shape_cast %select_n3A_204 : vector<1x10000xi32> to vector<1x1x10000xi32>
      %reduce_min3A_206 = arith.constant dense<2147483647> : vector<1xi32>
      %reduce_min3A_207 = vector.multi_reduction <minsi>, %reduce_min3A_205, %reduce_min3A_206 [1, 2] : vector<1x1x10000xi32> to vector<1xi32>
      %reduce_min3A_208 = vector.shape_cast %reduce_min3A_207 : vector<1xi32> to vector<1x1x1xi32>
      %reduce_min3A_209 = vector.extract %reduce_min3A_208[0, 0, 0] : i32 from vector<1x1x1xi32>
      %eq3A_210 = vector.broadcast %reduce_min3A_209 : i32 to vector<1x10000xi32>
      %eq3A_211 = arith.cmpi eq, %iota3A, %eq3A_210 : vector<1x10000xi32>
      %jit3A_212 = arith.constant 0x7F800000 : f32
      %broadcast_in_dim3A_213 = vector.broadcast %jit3A_212 : f32 to vector<1x10000xf32>
      %select_n3A_214 = arith.select %eq3A_211, %broadcast_in_dim3A_213, %select_n3A_194 : vector<1x10000xi1>, vector<1x10000xf32>
      %reduce_min3A_215 = vector.shape_cast %select_n3A_214 : vector<1x10000xf32> to vector<1x1x10000xf32>
      %reduce_min3A_216 = arith.constant dense<0x7F800000> : vector<1xf32>
      %reduce_min3A_217 = vector.multi_reduction <minimumf>, %reduce_min3A_215, %reduce_min3A_216 [1, 2] : vector<1x1x10000xf32> to vector<1xf32>
      %reduce_min3A_218 = vector.shape_cast %reduce_min3A_217 : vector<1xf32> to vector<1x1x1xf32>
      %reduce_min3A_219 = vector.extract %reduce_min3A_218[0, 0, 0] : f32 from vector<1x1x1xf32>
      %eq3A_220 = vector.broadcast %reduce_min3A_219 : f32 to vector<1x10000xf32>
      %eq3A_221 = arith.cmpf oeq, %select_n3A_214, %eq3A_220 : vector<1x10000xf32>
      %jit3A_222 = arith.constant 1073741824 : i32
      %broadcast_in_dim3A_223 = vector.broadcast %jit3A_222 : i32 to vector<1x10000xi32>
      %select_n3A_224 = arith.select %eq3A_221, %iota3A, %broadcast_in_dim3A_223 : vector<1x10000xi1>, vector<1x10000xi32>
      %reduce_min3A_225 = vector.shape_cast %select_n3A_224 : vector<1x10000xi32> to vector<1x1x10000xi32>
      %reduce_min3A_226 = arith.constant dense<2147483647> : vector<1xi32>
      %reduce_min3A_227 = vector.multi_reduction <minsi>, %reduce_min3A_225, %reduce_min3A_226 [1, 2] : vector<1x1x10000xi32> to vector<1xi32>
      %reduce_min3A_228 = vector.shape_cast %reduce_min3A_227 : vector<1xi32> to vector<1x1x1xi32>
      %reduce_min3A_229 = vector.extract %reduce_min3A_228[0, 0, 0] : i32 from vector<1x1x1xi32>
      %eq3A_230 = vector.broadcast %reduce_min3A_229 : i32 to vector<1x10000xi32>
      %eq3A_231 = arith.cmpi eq, %iota3A, %eq3A_230 : vector<1x10000xi32>
      %jit3A_232 = arith.constant 0x7F800000 : f32
      %broadcast_in_dim3A_233 = vector.broadcast %jit3A_232 : f32 to vector<1x10000xf32>
      %select_n3A_234 = arith.select %eq3A_231, %broadcast_in_dim3A_233, %select_n3A_214 : vector<1x10000xi1>, vector<1x10000xf32>
      %reduce_min3A_235 = vector.shape_cast %select_n3A_234 : vector<1x10000xf32> to vector<1x1x10000xf32>
      %reduce_min3A_236 = arith.constant dense<0x7F800000> : vector<1xf32>
      %reduce_min3A_237 = vector.multi_reduction <minimumf>, %reduce_min3A_235, %reduce_min3A_236 [1, 2] : vector<1x1x10000xf32> to vector<1xf32>
      %reduce_min3A_238 = vector.shape_cast %reduce_min3A_237 : vector<1xf32> to vector<1x1x1xf32>
      %reduce_min3A_239 = vector.extract %reduce_min3A_238[0, 0, 0] : f32 from vector<1x1x1xf32>
      %eq3A_240 = vector.broadcast %reduce_min3A_239 : f32 to vector<1x10000xf32>
      %eq3A_241 = arith.cmpf oeq, %select_n3A_234, %eq3A_240 : vector<1x10000xf32>
      %jit3A_242 = arith.constant 1073741824 : i32
      %broadcast_in_dim3A_243 = vector.broadcast %jit3A_242 : i32 to vector<1x10000xi32>
      %select_n3A_244 = arith.select %eq3A_241, %iota3A, %broadcast_in_dim3A_243 : vector<1x10000xi1>, vector<1x10000xi32>
      %reduce_min3A_245 = vector.shape_cast %select_n3A_244 : vector<1x10000xi32> to vector<1x1x10000xi32>
      %reduce_min3A_246 = arith.constant dense<2147483647> : vector<1xi32>
      %reduce_min3A_247 = vector.multi_reduction <minsi>, %reduce_min3A_245, %reduce_min3A_246 [1, 2] : vector<1x1x10000xi32> to vector<1xi32>
      %reduce_min3A_248 = vector.shape_cast %reduce_min3A_247 : vector<1xi32> to vector<1x1x1xi32>
      %reduce_min3A_249 = vector.extract %reduce_min3A_248[0, 0, 0] : i32 from vector<1x1x1xi32>
      %eq3A_250 = vector.broadcast %reduce_min3A_249 : i32 to vector<1x10000xi32>
      %eq3A_251 = arith.cmpi eq, %iota3A, %eq3A_250 : vector<1x10000xi32>
      %jit3A_252 = arith.constant 0x7F800000 : f32
      %broadcast_in_dim3A_253 = vector.broadcast %jit3A_252 : f32 to vector<1x10000xf32>
      %select_n3A_254 = arith.select %eq3A_251, %broadcast_in_dim3A_253, %select_n3A_234 : vector<1x10000xi1>, vector<1x10000xf32>
      %reduce_min3A_255 = vector.shape_cast %select_n3A_254 : vector<1x10000xf32> to vector<1x1x10000xf32>
      %reduce_min3A_256 = arith.constant dense<0x7F800000> : vector<1xf32>
      %reduce_min3A_257 = vector.multi_reduction <minimumf>, %reduce_min3A_255, %reduce_min3A_256 [1, 2] : vector<1x1x10000xf32> to vector<1xf32>
      %reduce_min3A_258 = vector.shape_cast %reduce_min3A_257 : vector<1xf32> to vector<1x1x1xf32>
      %reduce_min3A_259 = vector.extract %reduce_min3A_258[0, 0, 0] : f32 from vector<1x1x1xf32>
      %eq3A_260 = vector.broadcast %reduce_min3A_259 : f32 to vector<1x10000xf32>
      %eq3A_261 = arith.cmpf oeq, %select_n3A_254, %eq3A_260 : vector<1x10000xf32>
      %jit3A_262 = arith.constant 1073741824 : i32
      %broadcast_in_dim3A_263 = vector.broadcast %jit3A_262 : i32 to vector<1x10000xi32>
      %select_n3A_264 = arith.select %eq3A_261, %iota3A, %broadcast_in_dim3A_263 : vector<1x10000xi1>, vector<1x10000xi32>
      %reduce_min3A_265 = vector.shape_cast %select_n3A_264 : vector<1x10000xi32> to vector<1x1x10000xi32>
      %reduce_min3A_266 = arith.constant dense<2147483647> : vector<1xi32>
      %reduce_min3A_267 = vector.multi_reduction <minsi>, %reduce_min3A_265, %reduce_min3A_266 [1, 2] : vector<1x1x10000xi32> to vector<1xi32>
      %reduce_min3A_268 = vector.shape_cast %reduce_min3A_267 : vector<1xi32> to vector<1x1x1xi32>
      %reduce_min3A_269 = vector.extract %reduce_min3A_268[0, 0, 0] : i32 from vector<1x1x1xi32>
      %eq3A_270 = vector.broadcast %reduce_min3A_269 : i32 to vector<1x10000xi32>
      %eq3A_271 = arith.cmpi eq, %iota3A, %eq3A_270 : vector<1x10000xi32>
      %jit3A_272 = arith.constant 0x7F800000 : f32
      %broadcast_in_dim3A_273 = vector.broadcast %jit3A_272 : f32 to vector<1x10000xf32>
      %select_n3A_274 = arith.select %eq3A_271, %broadcast_in_dim3A_273, %select_n3A_254 : vector<1x10000xi1>, vector<1x10000xf32>
      %reduce_min3A_275 = vector.shape_cast %select_n3A_274 : vector<1x10000xf32> to vector<1x1x10000xf32>
      %reduce_min3A_276 = arith.constant dense<0x7F800000> : vector<1xf32>
      %reduce_min3A_277 = vector.multi_reduction <minimumf>, %reduce_min3A_275, %reduce_min3A_276 [1, 2] : vector<1x1x10000xf32> to vector<1xf32>
      %reduce_min3A_278 = vector.shape_cast %reduce_min3A_277 : vector<1xf32> to vector<1x1x1xf32>
      %reduce_min3A_279 = vector.extract %reduce_min3A_278[0, 0, 0] : f32 from vector<1x1x1xf32>
      %eq3A_280 = vector.broadcast %reduce_min3A_279 : f32 to vector<1x10000xf32>
      %eq3A_281 = arith.cmpf oeq, %select_n3A_274, %eq3A_280 : vector<1x10000xf32>
      %jit3A_282 = arith.constant 1073741824 : i32
      %broadcast_in_dim3A_283 = vector.broadcast %jit3A_282 : i32 to vector<1x10000xi32>
      %select_n3A_284 = arith.select %eq3A_281, %iota3A, %broadcast_in_dim3A_283 : vector<1x10000xi1>, vector<1x10000xi32>
      %reduce_min3A_285 = vector.shape_cast %select_n3A_284 : vector<1x10000xi32> to vector<1x1x10000xi32>
      %reduce_min3A_286 = arith.constant dense<2147483647> : vector<1xi32>
      %reduce_min3A_287 = vector.multi_reduction <minsi>, %reduce_min3A_285, %reduce_min3A_286 [1, 2] : vector<1x1x10000xi32> to vector<1xi32>
      %reduce_min3A_288 = vector.shape_cast %reduce_min3A_287 : vector<1xi32> to vector<1x1x1xi32>
      %reduce_min3A_289 = vector.extract %reduce_min3A_288[0, 0, 0] : i32 from vector<1x1x1xi32>
      %eq3A_290 = vector.broadcast %reduce_min3A_289 : i32 to vector<1x10000xi32>
      %eq3A_291 = arith.cmpi eq, %iota3A, %eq3A_290 : vector<1x10000xi32>
      %jit3A_292 = arith.constant 0x7F800000 : f32
      %broadcast_in_dim3A_293 = vector.broadcast %jit3A_292 : f32 to vector<1x10000xf32>
      %select_n3A_294 = arith.select %eq3A_291, %broadcast_in_dim3A_293, %select_n3A_274 : vector<1x10000xi1>, vector<1x10000xf32>
      %reduce_min3A_295 = vector.shape_cast %select_n3A_294 : vector<1x10000xf32> to vector<1x1x10000xf32>
      %reduce_min3A_296 = arith.constant dense<0x7F800000> : vector<1xf32>
      %reduce_min3A_297 = vector.multi_reduction <minimumf>, %reduce_min3A_295, %reduce_min3A_296 [1, 2] : vector<1x1x10000xf32> to vector<1xf32>
      %reduce_min3A_298 = vector.shape_cast %reduce_min3A_297 : vector<1xf32> to vector<1x1x1xf32>
      %reduce_min3A_299 = vector.extract %reduce_min3A_298[0, 0, 0] : f32 from vector<1x1x1xf32>
      %eq3A_300 = vector.broadcast %reduce_min3A_299 : f32 to vector<1x10000xf32>
      %eq3A_301 = arith.cmpf oeq, %select_n3A_294, %eq3A_300 : vector<1x10000xf32>
      %jit3A_302 = arith.constant 1073741824 : i32
      %broadcast_in_dim3A_303 = vector.broadcast %jit3A_302 : i32 to vector<1x10000xi32>
      %select_n3A_304 = arith.select %eq3A_301, %iota3A, %broadcast_in_dim3A_303 : vector<1x10000xi1>, vector<1x10000xi32>
      %reduce_min3A_305 = vector.shape_cast %select_n3A_304 : vector<1x10000xi32> to vector<1x1x10000xi32>
      %reduce_min3A_306 = arith.constant dense<2147483647> : vector<1xi32>
      %reduce_min3A_307 = vector.multi_reduction <minsi>, %reduce_min3A_305, %reduce_min3A_306 [1, 2] : vector<1x1x10000xi32> to vector<1xi32>
      %reduce_min3A_308 = vector.shape_cast %reduce_min3A_307 : vector<1xi32> to vector<1x1x1xi32>
      %reduce_min3A_309 = vector.extract %reduce_min3A_308[0, 0, 0] : i32 from vector<1x1x1xi32>
      %eq3A_310 = vector.broadcast %reduce_min3A_309 : i32 to vector<1x10000xi32>
      %eq3A_311 = arith.cmpi eq, %iota3A, %eq3A_310 : vector<1x10000xi32>
      %jit3A_312 = arith.constant 0x7F800000 : f32
      %broadcast_in_dim3A_313 = vector.broadcast %jit3A_312 : f32 to vector<1x10000xf32>
      %select_n3A_314 = arith.select %eq3A_311, %broadcast_in_dim3A_313, %select_n3A_294 : vector<1x10000xi1>, vector<1x10000xf32>
      %reduce_min3A_315 = vector.shape_cast %select_n3A_314 : vector<1x10000xf32> to vector<1x1x10000xf32>
      %reduce_min3A_316 = arith.constant dense<0x7F800000> : vector<1xf32>
      %reduce_min3A_317 = vector.multi_reduction <minimumf>, %reduce_min3A_315, %reduce_min3A_316 [1, 2] : vector<1x1x10000xf32> to vector<1xf32>
      %reduce_min3A_318 = vector.shape_cast %reduce_min3A_317 : vector<1xf32> to vector<1x1x1xf32>
      %reduce_min3A_319 = vector.extract %reduce_min3A_318[0, 0, 0] : f32 from vector<1x1x1xf32>
      %eq3A_320 = vector.broadcast %reduce_min3A_319 : f32 to vector<1x10000xf32>
      %eq3A_321 = arith.cmpf oeq, %select_n3A_314, %eq3A_320 : vector<1x10000xf32>
      %jit3A_322 = arith.constant 1073741824 : i32
      %broadcast_in_dim3A_323 = vector.broadcast %jit3A_322 : i32 to vector<1x10000xi32>
      %select_n3A_324 = arith.select %eq3A_321, %iota3A, %broadcast_in_dim3A_323 : vector<1x10000xi1>, vector<1x10000xi32>
      %reduce_min3A_325 = vector.shape_cast %select_n3A_324 : vector<1x10000xi32> to vector<1x1x10000xi32>
      %reduce_min3A_326 = arith.constant dense<2147483647> : vector<1xi32>
      %reduce_min3A_327 = vector.multi_reduction <minsi>, %reduce_min3A_325, %reduce_min3A_326 [1, 2] : vector<1x1x10000xi32> to vector<1xi32>
      %reduce_min3A_328 = vector.shape_cast %reduce_min3A_327 : vector<1xi32> to vector<1x1x1xi32>
      %reduce_min3A_329 = vector.extract %reduce_min3A_328[0, 0, 0] : i32 from vector<1x1x1xi32>
      %eq3A_330 = vector.broadcast %reduce_min3A_329 : i32 to vector<1x10000xi32>
      %eq3A_331 = arith.cmpi eq, %iota3A, %eq3A_330 : vector<1x10000xi32>
      %jit3A_332 = arith.constant 0x7F800000 : f32
      %broadcast_in_dim3A_333 = vector.broadcast %jit3A_332 : f32 to vector<1x10000xf32>
      %select_n3A_334 = arith.select %eq3A_331, %broadcast_in_dim3A_333, %select_n3A_314 : vector<1x10000xi1>, vector<1x10000xf32>
      %reduce_min3A_335 = vector.shape_cast %select_n3A_334 : vector<1x10000xf32> to vector<1x1x10000xf32>
      %reduce_min3A_336 = arith.constant dense<0x7F800000> : vector<1xf32>
      %reduce_min3A_337 = vector.multi_reduction <minimumf>, %reduce_min3A_335, %reduce_min3A_336 [1, 2] : vector<1x1x10000xf32> to vector<1xf32>
      %reduce_min3A_338 = vector.shape_cast %reduce_min3A_337 : vector<1xf32> to vector<1x1x1xf32>
      %reduce_min3A_339 = vector.extract %reduce_min3A_338[0, 0, 0] : f32 from vector<1x1x1xf32>
      %eq3A_340 = vector.broadcast %reduce_min3A_339 : f32 to vector<1x10000xf32>
      %eq3A_341 = arith.cmpf oeq, %select_n3A_334, %eq3A_340 : vector<1x10000xf32>
      %jit3A_342 = arith.constant 1073741824 : i32
      %broadcast_in_dim3A_343 = vector.broadcast %jit3A_342 : i32 to vector<1x10000xi32>
      %select_n3A_344 = arith.select %eq3A_341, %iota3A, %broadcast_in_dim3A_343 : vector<1x10000xi1>, vector<1x10000xi32>
      %reduce_min3A_345 = vector.shape_cast %select_n3A_344 : vector<1x10000xi32> to vector<1x1x10000xi32>
      %reduce_min3A_346 = arith.constant dense<2147483647> : vector<1xi32>
      %reduce_min3A_347 = vector.multi_reduction <minsi>, %reduce_min3A_345, %reduce_min3A_346 [1, 2] : vector<1x1x10000xi32> to vector<1xi32>
      %reduce_min3A_348 = vector.shape_cast %reduce_min3A_347 : vector<1xi32> to vector<1x1x1xi32>
      %reduce_min3A_349 = vector.extract %reduce_min3A_348[0, 0, 0] : i32 from vector<1x1x1xi32>
      %eq3A_350 = vector.broadcast %reduce_min3A_349 : i32 to vector<1x10000xi32>
      %eq3A_351 = arith.cmpi eq, %iota3A, %eq3A_350 : vector<1x10000xi32>
      %jit3A_352 = arith.constant 0x7F800000 : f32
      %broadcast_in_dim3A_353 = vector.broadcast %jit3A_352 : f32 to vector<1x10000xf32>
      %select_n3A_354 = arith.select %eq3A_351, %broadcast_in_dim3A_353, %select_n3A_334 : vector<1x10000xi1>, vector<1x10000xf32>
      %reduce_min3A_355 = vector.shape_cast %select_n3A_354 : vector<1x10000xf32> to vector<1x1x10000xf32>
      %reduce_min3A_356 = arith.constant dense<0x7F800000> : vector<1xf32>
      %reduce_min3A_357 = vector.multi_reduction <minimumf>, %reduce_min3A_355, %reduce_min3A_356 [1, 2] : vector<1x1x10000xf32> to vector<1xf32>
      %reduce_min3A_358 = vector.shape_cast %reduce_min3A_357 : vector<1xf32> to vector<1x1x1xf32>
      %reduce_min3A_359 = vector.extract %reduce_min3A_358[0, 0, 0] : f32 from vector<1x1x1xf32>
      %eq3A_360 = vector.broadcast %reduce_min3A_359 : f32 to vector<1x10000xf32>
      %eq3A_361 = arith.cmpf oeq, %select_n3A_354, %eq3A_360 : vector<1x10000xf32>
      %jit3A_362 = arith.constant 1073741824 : i32
      %broadcast_in_dim3A_363 = vector.broadcast %jit3A_362 : i32 to vector<1x10000xi32>
      %select_n3A_364 = arith.select %eq3A_361, %iota3A, %broadcast_in_dim3A_363 : vector<1x10000xi1>, vector<1x10000xi32>
      %reduce_min3A_365 = vector.shape_cast %select_n3A_364 : vector<1x10000xi32> to vector<1x1x10000xi32>
      %reduce_min3A_366 = arith.constant dense<2147483647> : vector<1xi32>
      %reduce_min3A_367 = vector.multi_reduction <minsi>, %reduce_min3A_365, %reduce_min3A_366 [1, 2] : vector<1x1x10000xi32> to vector<1xi32>
      %reduce_min3A_368 = vector.shape_cast %reduce_min3A_367 : vector<1xi32> to vector<1x1x1xi32>
      %reduce_min3A_369 = vector.extract %reduce_min3A_368[0, 0, 0] : i32 from vector<1x1x1xi32>
      %eq3A_370 = vector.broadcast %reduce_min3A_369 : i32 to vector<1x10000xi32>
      %eq3A_371 = arith.cmpi eq, %iota3A, %eq3A_370 : vector<1x10000xi32>
      %jit3A_372 = arith.constant 0x7F800000 : f32
      %broadcast_in_dim3A_373 = vector.broadcast %jit3A_372 : f32 to vector<1x10000xf32>
      %select_n3A_374 = arith.select %eq3A_371, %broadcast_in_dim3A_373, %select_n3A_354 : vector<1x10000xi1>, vector<1x10000xf32>
      %reduce_min3A_375 = vector.shape_cast %select_n3A_374 : vector<1x10000xf32> to vector<1x1x10000xf32>
      %reduce_min3A_376 = arith.constant dense<0x7F800000> : vector<1xf32>
      %reduce_min3A_377 = vector.multi_reduction <minimumf>, %reduce_min3A_375, %reduce_min3A_376 [1, 2] : vector<1x1x10000xf32> to vector<1xf32>
      %reduce_min3A_378 = vector.shape_cast %reduce_min3A_377 : vector<1xf32> to vector<1x1x1xf32>
      %reduce_min3A_379 = vector.extract %reduce_min3A_378[0, 0, 0] : f32 from vector<1x1x1xf32>
      %eq3A_380 = vector.broadcast %reduce_min3A_379 : f32 to vector<1x10000xf32>
      %eq3A_381 = arith.cmpf oeq, %select_n3A_374, %eq3A_380 : vector<1x10000xf32>
      %jit3A_382 = arith.constant 1073741824 : i32
      %broadcast_in_dim3A_383 = vector.broadcast %jit3A_382 : i32 to vector<1x10000xi32>
      %select_n3A_384 = arith.select %eq3A_381, %iota3A, %broadcast_in_dim3A_383 : vector<1x10000xi1>, vector<1x10000xi32>
      %reduce_min3A_385 = vector.shape_cast %select_n3A_384 : vector<1x10000xi32> to vector<1x1x10000xi32>
      %reduce_min3A_386 = arith.constant dense<2147483647> : vector<1xi32>
      %reduce_min3A_387 = vector.multi_reduction <minsi>, %reduce_min3A_385, %reduce_min3A_386 [1, 2] : vector<1x1x10000xi32> to vector<1xi32>
      %reduce_min3A_388 = vector.shape_cast %reduce_min3A_387 : vector<1xi32> to vector<1x1x1xi32>
      %reduce_min3A_389 = vector.extract %reduce_min3A_388[0, 0, 0] : i32 from vector<1x1x1xi32>
      %eq3A_390 = vector.broadcast %reduce_min3A_389 : i32 to vector<1x10000xi32>
      %eq3A_391 = arith.cmpi eq, %iota3A, %eq3A_390 : vector<1x10000xi32>
      %jit3A_392 = arith.constant 0x7F800000 : f32
      %broadcast_in_dim3A_393 = vector.broadcast %jit3A_392 : f32 to vector<1x10000xf32>
      %select_n3A_394 = arith.select %eq3A_391, %broadcast_in_dim3A_393, %select_n3A_374 : vector<1x10000xi1>, vector<1x10000xf32>
      %reduce_min3A_395 = vector.shape_cast %select_n3A_394 : vector<1x10000xf32> to vector<1x1x10000xf32>
      %reduce_min3A_396 = arith.constant dense<0x7F800000> : vector<1xf32>
      %reduce_min3A_397 = vector.multi_reduction <minimumf>, %reduce_min3A_395, %reduce_min3A_396 [1, 2] : vector<1x1x10000xf32> to vector<1xf32>
      %reduce_min3A_398 = vector.shape_cast %reduce_min3A_397 : vector<1xf32> to vector<1x1x1xf32>
      %reduce_min3A_399 = vector.extract %reduce_min3A_398[0, 0, 0] : f32 from vector<1x1x1xf32>
      %eq3A_400 = vector.broadcast %reduce_min3A_399 : f32 to vector<1x10000xf32>
      %eq3A_401 = arith.cmpf oeq, %select_n3A_394, %eq3A_400 : vector<1x10000xf32>
      %jit3A_402 = arith.constant 1073741824 : i32
      %broadcast_in_dim3A_403 = vector.broadcast %jit3A_402 : i32 to vector<1x10000xi32>
      %select_n3A_404 = arith.select %eq3A_401, %iota3A, %broadcast_in_dim3A_403 : vector<1x10000xi1>, vector<1x10000xi32>
      %reduce_min3A_405 = vector.shape_cast %select_n3A_404 : vector<1x10000xi32> to vector<1x1x10000xi32>
      %reduce_min3A_406 = arith.constant dense<2147483647> : vector<1xi32>
      %reduce_min3A_407 = vector.multi_reduction <minsi>, %reduce_min3A_405, %reduce_min3A_406 [1, 2] : vector<1x1x10000xi32> to vector<1xi32>
      %reduce_min3A_408 = vector.shape_cast %reduce_min3A_407 : vector<1xi32> to vector<1x1x1xi32>
      %reduce_min3A_409 = vector.extract %reduce_min3A_408[0, 0, 0] : i32 from vector<1x1x1xi32>
      %eq3A_410 = vector.broadcast %reduce_min3A_409 : i32 to vector<1x10000xi32>
      %eq3A_411 = arith.cmpi eq, %iota3A, %eq3A_410 : vector<1x10000xi32>
      %jit3A_412 = arith.constant 0x7F800000 : f32
      %broadcast_in_dim3A_413 = vector.broadcast %jit3A_412 : f32 to vector<1x10000xf32>
      %select_n3A_414 = arith.select %eq3A_411, %broadcast_in_dim3A_413, %select_n3A_394 : vector<1x10000xi1>, vector<1x10000xf32>
      %reduce_min3A_415 = vector.shape_cast %select_n3A_414 : vector<1x10000xf32> to vector<1x1x10000xf32>
      %reduce_min3A_416 = arith.constant dense<0x7F800000> : vector<1xf32>
      %reduce_min3A_417 = vector.multi_reduction <minimumf>, %reduce_min3A_415, %reduce_min3A_416 [1, 2] : vector<1x1x10000xf32> to vector<1xf32>
      %reduce_min3A_418 = vector.shape_cast %reduce_min3A_417 : vector<1xf32> to vector<1x1x1xf32>
      %reduce_min3A_419 = vector.extract %reduce_min3A_418[0, 0, 0] : f32 from vector<1x1x1xf32>
      %eq3A_420 = vector.broadcast %reduce_min3A_419 : f32 to vector<1x10000xf32>
      %eq3A_421 = arith.cmpf oeq, %select_n3A_414, %eq3A_420 : vector<1x10000xf32>
      %jit3A_422 = arith.constant 1073741824 : i32
      %broadcast_in_dim3A_423 = vector.broadcast %jit3A_422 : i32 to vector<1x10000xi32>
      %select_n3A_424 = arith.select %eq3A_421, %iota3A, %broadcast_in_dim3A_423 : vector<1x10000xi1>, vector<1x10000xi32>
      %reduce_min3A_425 = vector.shape_cast %select_n3A_424 : vector<1x10000xi32> to vector<1x1x10000xi32>
      %reduce_min3A_426 = arith.constant dense<2147483647> : vector<1xi32>
      %reduce_min3A_427 = vector.multi_reduction <minsi>, %reduce_min3A_425, %reduce_min3A_426 [1, 2] : vector<1x1x10000xi32> to vector<1xi32>
      %reduce_min3A_428 = vector.shape_cast %reduce_min3A_427 : vector<1xi32> to vector<1x1x1xi32>
      %reduce_min3A_429 = vector.extract %reduce_min3A_428[0, 0, 0] : i32 from vector<1x1x1xi32>
      %eq3A_430 = vector.broadcast %reduce_min3A_429 : i32 to vector<1x10000xi32>
      %eq3A_431 = arith.cmpi eq, %iota3A, %eq3A_430 : vector<1x10000xi32>
      %jit3A_432 = arith.constant 0x7F800000 : f32
      %broadcast_in_dim3A_433 = vector.broadcast %jit3A_432 : f32 to vector<1x10000xf32>
      %select_n3A_434 = arith.select %eq3A_431, %broadcast_in_dim3A_433, %select_n3A_414 : vector<1x10000xi1>, vector<1x10000xf32>
      %reduce_min3A_435 = vector.shape_cast %select_n3A_434 : vector<1x10000xf32> to vector<1x1x10000xf32>
      %reduce_min3A_436 = arith.constant dense<0x7F800000> : vector<1xf32>
      %reduce_min3A_437 = vector.multi_reduction <minimumf>, %reduce_min3A_435, %reduce_min3A_436 [1, 2] : vector<1x1x10000xf32> to vector<1xf32>
      %reduce_min3A_438 = vector.shape_cast %reduce_min3A_437 : vector<1xf32> to vector<1x1x1xf32>
      %reduce_min3A_439 = vector.extract %reduce_min3A_438[0, 0, 0] : f32 from vector<1x1x1xf32>
      %eq3A_440 = vector.broadcast %reduce_min3A_439 : f32 to vector<1x10000xf32>
      %eq3A_441 = arith.cmpf oeq, %select_n3A_434, %eq3A_440 : vector<1x10000xf32>
      %jit3A_442 = arith.constant 1073741824 : i32
      %broadcast_in_dim3A_443 = vector.broadcast %jit3A_442 : i32 to vector<1x10000xi32>
      %select_n3A_444 = arith.select %eq3A_441, %iota3A, %broadcast_in_dim3A_443 : vector<1x10000xi1>, vector<1x10000xi32>
      %reduce_min3A_445 = vector.shape_cast %select_n3A_444 : vector<1x10000xi32> to vector<1x1x10000xi32>
      %reduce_min3A_446 = arith.constant dense<2147483647> : vector<1xi32>
      %reduce_min3A_447 = vector.multi_reduction <minsi>, %reduce_min3A_445, %reduce_min3A_446 [1, 2] : vector<1x1x10000xi32> to vector<1xi32>
      %reduce_min3A_448 = vector.shape_cast %reduce_min3A_447 : vector<1xi32> to vector<1x1x1xi32>
      %reduce_min3A_449 = vector.extract %reduce_min3A_448[0, 0, 0] : i32 from vector<1x1x1xi32>
      %eq3A_450 = vector.broadcast %reduce_min3A_449 : i32 to vector<1x10000xi32>
      %eq3A_451 = arith.cmpi eq, %iota3A, %eq3A_450 : vector<1x10000xi32>
      %jit3A_452 = arith.constant 0x7F800000 : f32
      %broadcast_in_dim3A_453 = vector.broadcast %jit3A_452 : f32 to vector<1x10000xf32>
      %select_n3A_454 = arith.select %eq3A_451, %broadcast_in_dim3A_453, %select_n3A_434 : vector<1x10000xi1>, vector<1x10000xf32>
      %reduce_min3A_455 = vector.shape_cast %select_n3A_454 : vector<1x10000xf32> to vector<1x1x10000xf32>
      %reduce_min3A_456 = arith.constant dense<0x7F800000> : vector<1xf32>
      %reduce_min3A_457 = vector.multi_reduction <minimumf>, %reduce_min3A_455, %reduce_min3A_456 [1, 2] : vector<1x1x10000xf32> to vector<1xf32>
      %reduce_min3A_458 = vector.shape_cast %reduce_min3A_457 : vector<1xf32> to vector<1x1x1xf32>
      %reduce_min3A_459 = vector.extract %reduce_min3A_458[0, 0, 0] : f32 from vector<1x1x1xf32>
      %eq3A_460 = vector.broadcast %reduce_min3A_459 : f32 to vector<1x10000xf32>
      %eq3A_461 = arith.cmpf oeq, %select_n3A_454, %eq3A_460 : vector<1x10000xf32>
      %jit3A_462 = arith.constant 1073741824 : i32
      %broadcast_in_dim3A_463 = vector.broadcast %jit3A_462 : i32 to vector<1x10000xi32>
      %select_n3A_464 = arith.select %eq3A_461, %iota3A, %broadcast_in_dim3A_463 : vector<1x10000xi1>, vector<1x10000xi32>
      %reduce_min3A_465 = vector.shape_cast %select_n3A_464 : vector<1x10000xi32> to vector<1x1x10000xi32>
      %reduce_min3A_466 = arith.constant dense<2147483647> : vector<1xi32>
      %reduce_min3A_467 = vector.multi_reduction <minsi>, %reduce_min3A_465, %reduce_min3A_466 [1, 2] : vector<1x1x10000xi32> to vector<1xi32>
      %reduce_min3A_468 = vector.shape_cast %reduce_min3A_467 : vector<1xi32> to vector<1x1x1xi32>
      %reduce_min3A_469 = vector.extract %reduce_min3A_468[0, 0, 0] : i32 from vector<1x1x1xi32>
      %eq3A_470 = vector.broadcast %reduce_min3A_469 : i32 to vector<1x10000xi32>
      %eq3A_471 = arith.cmpi eq, %iota3A, %eq3A_470 : vector<1x10000xi32>
      %jit3A_472 = arith.constant 0x7F800000 : f32
      %broadcast_in_dim3A_473 = vector.broadcast %jit3A_472 : f32 to vector<1x10000xf32>
      %select_n3A_474 = arith.select %eq3A_471, %broadcast_in_dim3A_473, %select_n3A_454 : vector<1x10000xi1>, vector<1x10000xf32>
      %reduce_min3A_475 = vector.shape_cast %select_n3A_474 : vector<1x10000xf32> to vector<1x1x10000xf32>
      %reduce_min3A_476 = arith.constant dense<0x7F800000> : vector<1xf32>
      %reduce_min3A_477 = vector.multi_reduction <minimumf>, %reduce_min3A_475, %reduce_min3A_476 [1, 2] : vector<1x1x10000xf32> to vector<1xf32>
      %reduce_min3A_478 = vector.shape_cast %reduce_min3A_477 : vector<1xf32> to vector<1x1x1xf32>
      %reduce_min3A_479 = vector.extract %reduce_min3A_478[0, 0, 0] : f32 from vector<1x1x1xf32>
      %eq3A_480 = vector.broadcast %reduce_min3A_479 : f32 to vector<1x10000xf32>
      %eq3A_481 = arith.cmpf oeq, %select_n3A_474, %eq3A_480 : vector<1x10000xf32>
      %jit3A_482 = arith.constant 1073741824 : i32
      %broadcast_in_dim3A_483 = vector.broadcast %jit3A_482 : i32 to vector<1x10000xi32>
      %select_n3A_484 = arith.select %eq3A_481, %iota3A, %broadcast_in_dim3A_483 : vector<1x10000xi1>, vector<1x10000xi32>
      %reduce_min3A_485 = vector.shape_cast %select_n3A_484 : vector<1x10000xi32> to vector<1x1x10000xi32>
      %reduce_min3A_486 = arith.constant dense<2147483647> : vector<1xi32>
      %reduce_min3A_487 = vector.multi_reduction <minsi>, %reduce_min3A_485, %reduce_min3A_486 [1, 2] : vector<1x1x10000xi32> to vector<1xi32>
      %reduce_min3A_488 = vector.shape_cast %reduce_min3A_487 : vector<1xi32> to vector<1x1x1xi32>
      %reduce_min3A_489 = vector.extract %reduce_min3A_488[0, 0, 0] : i32 from vector<1x1x1xi32>
      %eq3A_490 = vector.broadcast %reduce_min3A_489 : i32 to vector<1x10000xi32>
      %eq3A_491 = arith.cmpi eq, %iota3A, %eq3A_490 : vector<1x10000xi32>
      %jit3A_492 = arith.constant 0x7F800000 : f32
      %broadcast_in_dim3A_493 = vector.broadcast %jit3A_492 : f32 to vector<1x10000xf32>
      %select_n3A_494 = arith.select %eq3A_491, %broadcast_in_dim3A_493, %select_n3A_474 : vector<1x10000xi1>, vector<1x10000xf32>
      %reduce_min3A_495 = vector.shape_cast %select_n3A_494 : vector<1x10000xf32> to vector<1x1x10000xf32>
      %reduce_min3A_496 = arith.constant dense<0x7F800000> : vector<1xf32>
      %reduce_min3A_497 = vector.multi_reduction <minimumf>, %reduce_min3A_495, %reduce_min3A_496 [1, 2] : vector<1x1x10000xf32> to vector<1xf32>
      %reduce_min3A_498 = vector.shape_cast %reduce_min3A_497 : vector<1xf32> to vector<1x1x1xf32>
      %reduce_min3A_499 = vector.extract %reduce_min3A_498[0, 0, 0] : f32 from vector<1x1x1xf32>
      %eq3A_500 = vector.broadcast %reduce_min3A_499 : f32 to vector<1x10000xf32>
      %eq3A_501 = arith.cmpf oeq, %select_n3A_494, %eq3A_500 : vector<1x10000xf32>
      %jit3A_502 = arith.constant 1073741824 : i32
      %broadcast_in_dim3A_503 = vector.broadcast %jit3A_502 : i32 to vector<1x10000xi32>
      %select_n3A_504 = arith.select %eq3A_501, %iota3A, %broadcast_in_dim3A_503 : vector<1x10000xi1>, vector<1x10000xi32>
      %reduce_min3A_505 = vector.shape_cast %select_n3A_504 : vector<1x10000xi32> to vector<1x1x10000xi32>
      %reduce_min3A_506 = arith.constant dense<2147483647> : vector<1xi32>
      %reduce_min3A_507 = vector.multi_reduction <minsi>, %reduce_min3A_505, %reduce_min3A_506 [1, 2] : vector<1x1x10000xi32> to vector<1xi32>
      %reduce_min3A_508 = vector.shape_cast %reduce_min3A_507 : vector<1xi32> to vector<1x1x1xi32>
      %reduce_min3A_509 = vector.extract %reduce_min3A_508[0, 0, 0] : i32 from vector<1x1x1xi32>
      %eq3A_510 = vector.broadcast %reduce_min3A_509 : i32 to vector<1x10000xi32>
      %eq3A_511 = arith.cmpi eq, %iota3A, %eq3A_510 : vector<1x10000xi32>
      %jit3A_512 = arith.constant 0x7F800000 : f32
      %broadcast_in_dim3A_513 = vector.broadcast %jit3A_512 : f32 to vector<1x10000xf32>
      %select_n3A_514 = arith.select %eq3A_511, %broadcast_in_dim3A_513, %select_n3A_494 : vector<1x10000xi1>, vector<1x10000xf32>
      %reduce_min3A_515 = vector.shape_cast %select_n3A_514 : vector<1x10000xf32> to vector<1x1x10000xf32>
      %reduce_min3A_516 = arith.constant dense<0x7F800000> : vector<1xf32>
      %reduce_min3A_517 = vector.multi_reduction <minimumf>, %reduce_min3A_515, %reduce_min3A_516 [1, 2] : vector<1x1x10000xf32> to vector<1xf32>
      %reduce_min3A_518 = vector.shape_cast %reduce_min3A_517 : vector<1xf32> to vector<1x1x1xf32>
      %reduce_min3A_519 = vector.extract %reduce_min3A_518[0, 0, 0] : f32 from vector<1x1x1xf32>
      %eq3A_520 = vector.broadcast %reduce_min3A_519 : f32 to vector<1x10000xf32>
      %eq3A_521 = arith.cmpf oeq, %select_n3A_514, %eq3A_520 : vector<1x10000xf32>
      %jit3A_522 = arith.constant 1073741824 : i32
      %broadcast_in_dim3A_523 = vector.broadcast %jit3A_522 : i32 to vector<1x10000xi32>
      %select_n3A_524 = arith.select %eq3A_521, %iota3A, %broadcast_in_dim3A_523 : vector<1x10000xi1>, vector<1x10000xi32>
      %reduce_min3A_525 = vector.shape_cast %select_n3A_524 : vector<1x10000xi32> to vector<1x1x10000xi32>
      %reduce_min3A_526 = arith.constant dense<2147483647> : vector<1xi32>
      %reduce_min3A_527 = vector.multi_reduction <minsi>, %reduce_min3A_525, %reduce_min3A_526 [1, 2] : vector<1x1x10000xi32> to vector<1xi32>
      %reduce_min3A_528 = vector.shape_cast %reduce_min3A_527 : vector<1xi32> to vector<1x1x1xi32>
      %reduce_min3A_529 = vector.extract %reduce_min3A_528[0, 0, 0] : i32 from vector<1x1x1xi32>
      %eq3A_530 = vector.broadcast %reduce_min3A_529 : i32 to vector<1x10000xi32>
      %eq3A_531 = arith.cmpi eq, %iota3A, %eq3A_530 : vector<1x10000xi32>
      %jit3A_532 = arith.constant 0x7F800000 : f32
      %broadcast_in_dim3A_533 = vector.broadcast %jit3A_532 : f32 to vector<1x10000xf32>
      %select_n3A_534 = arith.select %eq3A_531, %broadcast_in_dim3A_533, %select_n3A_514 : vector<1x10000xi1>, vector<1x10000xf32>
      %reduce_min3A_535 = vector.shape_cast %select_n3A_534 : vector<1x10000xf32> to vector<1x1x10000xf32>
      %reduce_min3A_536 = arith.constant dense<0x7F800000> : vector<1xf32>
      %reduce_min3A_537 = vector.multi_reduction <minimumf>, %reduce_min3A_535, %reduce_min3A_536 [1, 2] : vector<1x1x10000xf32> to vector<1xf32>
      %reduce_min3A_538 = vector.shape_cast %reduce_min3A_537 : vector<1xf32> to vector<1x1x1xf32>
      %reduce_min3A_539 = vector.extract %reduce_min3A_538[0, 0, 0] : f32 from vector<1x1x1xf32>
      %eq3A_540 = vector.broadcast %reduce_min3A_539 : f32 to vector<1x10000xf32>
      %eq3A_541 = arith.cmpf oeq, %select_n3A_534, %eq3A_540 : vector<1x10000xf32>
      %jit3A_542 = arith.constant 1073741824 : i32
      %broadcast_in_dim3A_543 = vector.broadcast %jit3A_542 : i32 to vector<1x10000xi32>
      %select_n3A_544 = arith.select %eq3A_541, %iota3A, %broadcast_in_dim3A_543 : vector<1x10000xi1>, vector<1x10000xi32>
      %reduce_min3A_545 = vector.shape_cast %select_n3A_544 : vector<1x10000xi32> to vector<1x1x10000xi32>
      %reduce_min3A_546 = arith.constant dense<2147483647> : vector<1xi32>
      %reduce_min3A_547 = vector.multi_reduction <minsi>, %reduce_min3A_545, %reduce_min3A_546 [1, 2] : vector<1x1x10000xi32> to vector<1xi32>
      %reduce_min3A_548 = vector.shape_cast %reduce_min3A_547 : vector<1xi32> to vector<1x1x1xi32>
      %reduce_min3A_549 = vector.extract %reduce_min3A_548[0, 0, 0] : i32 from vector<1x1x1xi32>
      %eq3A_550 = vector.broadcast %reduce_min3A_549 : i32 to vector<1x10000xi32>
      %eq3A_551 = arith.cmpi eq, %iota3A, %eq3A_550 : vector<1x10000xi32>
      %jit3A_552 = arith.constant 0x7F800000 : f32
      %broadcast_in_dim3A_553 = vector.broadcast %jit3A_552 : f32 to vector<1x10000xf32>
      %select_n3A_554 = arith.select %eq3A_551, %broadcast_in_dim3A_553, %select_n3A_534 : vector<1x10000xi1>, vector<1x10000xf32>
      %reduce_min3A_555 = vector.shape_cast %select_n3A_554 : vector<1x10000xf32> to vector<1x1x10000xf32>
      %reduce_min3A_556 = arith.constant dense<0x7F800000> : vector<1xf32>
      %reduce_min3A_557 = vector.multi_reduction <minimumf>, %reduce_min3A_555, %reduce_min3A_556 [1, 2] : vector<1x1x10000xf32> to vector<1xf32>
      %reduce_min3A_558 = vector.shape_cast %reduce_min3A_557 : vector<1xf32> to vector<1x1x1xf32>
      %reduce_min3A_559 = vector.extract %reduce_min3A_558[0, 0, 0] : f32 from vector<1x1x1xf32>
      %eq3A_560 = vector.broadcast %reduce_min3A_559 : f32 to vector<1x10000xf32>
      %eq3A_561 = arith.cmpf oeq, %select_n3A_554, %eq3A_560 : vector<1x10000xf32>
      %jit3A_562 = arith.constant 1073741824 : i32
      %broadcast_in_dim3A_563 = vector.broadcast %jit3A_562 : i32 to vector<1x10000xi32>
      %select_n3A_564 = arith.select %eq3A_561, %iota3A, %broadcast_in_dim3A_563 : vector<1x10000xi1>, vector<1x10000xi32>
      %reduce_min3A_565 = vector.shape_cast %select_n3A_564 : vector<1x10000xi32> to vector<1x1x10000xi32>
      %reduce_min3A_566 = arith.constant dense<2147483647> : vector<1xi32>
      %reduce_min3A_567 = vector.multi_reduction <minsi>, %reduce_min3A_565, %reduce_min3A_566 [1, 2] : vector<1x1x10000xi32> to vector<1xi32>
      %reduce_min3A_568 = vector.shape_cast %reduce_min3A_567 : vector<1xi32> to vector<1x1x1xi32>
      %reduce_min3A_569 = vector.extract %reduce_min3A_568[0, 0, 0] : i32 from vector<1x1x1xi32>
      %eq3A_570 = vector.broadcast %reduce_min3A_569 : i32 to vector<1x10000xi32>
      %eq3A_571 = arith.cmpi eq, %iota3A, %eq3A_570 : vector<1x10000xi32>
      %jit3A_572 = arith.constant 0x7F800000 : f32
      %broadcast_in_dim3A_573 = vector.broadcast %jit3A_572 : f32 to vector<1x10000xf32>
      %select_n3A_574 = arith.select %eq3A_571, %broadcast_in_dim3A_573, %select_n3A_554 : vector<1x10000xi1>, vector<1x10000xf32>
      %reduce_min3A_575 = vector.shape_cast %select_n3A_574 : vector<1x10000xf32> to vector<1x1x10000xf32>
      %reduce_min3A_576 = arith.constant dense<0x7F800000> : vector<1xf32>
      %reduce_min3A_577 = vector.multi_reduction <minimumf>, %reduce_min3A_575, %reduce_min3A_576 [1, 2] : vector<1x1x10000xf32> to vector<1xf32>
      %reduce_min3A_578 = vector.shape_cast %reduce_min3A_577 : vector<1xf32> to vector<1x1x1xf32>
      %reduce_min3A_579 = vector.extract %reduce_min3A_578[0, 0, 0] : f32 from vector<1x1x1xf32>
      %eq3A_580 = vector.broadcast %reduce_min3A_579 : f32 to vector<1x10000xf32>
      %eq3A_581 = arith.cmpf oeq, %select_n3A_574, %eq3A_580 : vector<1x10000xf32>
      %jit3A_582 = arith.constant 1073741824 : i32
      %broadcast_in_dim3A_583 = vector.broadcast %jit3A_582 : i32 to vector<1x10000xi32>
      %select_n3A_584 = arith.select %eq3A_581, %iota3A, %broadcast_in_dim3A_583 : vector<1x10000xi1>, vector<1x10000xi32>
      %reduce_min3A_585 = vector.shape_cast %select_n3A_584 : vector<1x10000xi32> to vector<1x1x10000xi32>
      %reduce_min3A_586 = arith.constant dense<2147483647> : vector<1xi32>
      %reduce_min3A_587 = vector.multi_reduction <minsi>, %reduce_min3A_585, %reduce_min3A_586 [1, 2] : vector<1x1x10000xi32> to vector<1xi32>
      %reduce_min3A_588 = vector.shape_cast %reduce_min3A_587 : vector<1xi32> to vector<1x1x1xi32>
      %reduce_min3A_589 = vector.extract %reduce_min3A_588[0, 0, 0] : i32 from vector<1x1x1xi32>
      %eq3A_590 = vector.broadcast %reduce_min3A_589 : i32 to vector<1x10000xi32>
      %eq3A_591 = arith.cmpi eq, %iota3A, %eq3A_590 : vector<1x10000xi32>
      %jit3A_592 = arith.constant 0x7F800000 : f32
      %broadcast_in_dim3A_593 = vector.broadcast %jit3A_592 : f32 to vector<1x10000xf32>
      %select_n3A_594 = arith.select %eq3A_591, %broadcast_in_dim3A_593, %select_n3A_574 : vector<1x10000xi1>, vector<1x10000xf32>
      %reduce_min3A_595 = vector.shape_cast %select_n3A_594 : vector<1x10000xf32> to vector<1x1x10000xf32>
      %reduce_min3A_596 = arith.constant dense<0x7F800000> : vector<1xf32>
      %reduce_min3A_597 = vector.multi_reduction <minimumf>, %reduce_min3A_595, %reduce_min3A_596 [1, 2] : vector<1x1x10000xf32> to vector<1xf32>
      %reduce_min3A_598 = vector.shape_cast %reduce_min3A_597 : vector<1xf32> to vector<1x1x1xf32>
      %reduce_min3A_599 = vector.extract %reduce_min3A_598[0, 0, 0] : f32 from vector<1x1x1xf32>
      %eq3A_600 = vector.broadcast %reduce_min3A_599 : f32 to vector<1x10000xf32>
      %eq3A_601 = arith.cmpf oeq, %select_n3A_594, %eq3A_600 : vector<1x10000xf32>
      %jit3A_602 = arith.constant 1073741824 : i32
      %broadcast_in_dim3A_603 = vector.broadcast %jit3A_602 : i32 to vector<1x10000xi32>
      %select_n3A_604 = arith.select %eq3A_601, %iota3A, %broadcast_in_dim3A_603 : vector<1x10000xi1>, vector<1x10000xi32>
      %reduce_min3A_605 = vector.shape_cast %select_n3A_604 : vector<1x10000xi32> to vector<1x1x10000xi32>
      %reduce_min3A_606 = arith.constant dense<2147483647> : vector<1xi32>
      %reduce_min3A_607 = vector.multi_reduction <minsi>, %reduce_min3A_605, %reduce_min3A_606 [1, 2] : vector<1x1x10000xi32> to vector<1xi32>
      %reduce_min3A_608 = vector.shape_cast %reduce_min3A_607 : vector<1xi32> to vector<1x1x1xi32>
      %reduce_min3A_609 = vector.extract %reduce_min3A_608[0, 0, 0] : i32 from vector<1x1x1xi32>
      %eq3A_610 = vector.broadcast %reduce_min3A_609 : i32 to vector<1x10000xi32>
      %eq3A_611 = arith.cmpi eq, %iota3A, %eq3A_610 : vector<1x10000xi32>
      %jit3A_612 = arith.constant 0x7F800000 : f32
      %broadcast_in_dim3A_613 = vector.broadcast %jit3A_612 : f32 to vector<1x10000xf32>
      %select_n3A_614 = arith.select %eq3A_611, %broadcast_in_dim3A_613, %select_n3A_594 : vector<1x10000xi1>, vector<1x10000xf32>
      %reduce_min3A_615 = vector.shape_cast %select_n3A_614 : vector<1x10000xf32> to vector<1x1x10000xf32>
      %reduce_min3A_616 = arith.constant dense<0x7F800000> : vector<1xf32>
      %reduce_min3A_617 = vector.multi_reduction <minimumf>, %reduce_min3A_615, %reduce_min3A_616 [1, 2] : vector<1x1x10000xf32> to vector<1xf32>
      %reduce_min3A_618 = vector.shape_cast %reduce_min3A_617 : vector<1xf32> to vector<1x1x1xf32>
      %reduce_min3A_619 = vector.extract %reduce_min3A_618[0, 0, 0] : f32 from vector<1x1x1xf32>
      %eq3A_620 = vector.broadcast %reduce_min3A_619 : f32 to vector<1x10000xf32>
      %eq3A_621 = arith.cmpf oeq, %select_n3A_614, %eq3A_620 : vector<1x10000xf32>
      %jit3A_622 = arith.constant 1073741824 : i32
      %broadcast_in_dim3A_623 = vector.broadcast %jit3A_622 : i32 to vector<1x10000xi32>
      %select_n3A_624 = arith.select %eq3A_621, %iota3A, %broadcast_in_dim3A_623 : vector<1x10000xi1>, vector<1x10000xi32>
      %reduce_min3A_625 = vector.shape_cast %select_n3A_624 : vector<1x10000xi32> to vector<1x1x10000xi32>
      %reduce_min3A_626 = arith.constant dense<2147483647> : vector<1xi32>
      %reduce_min3A_627 = vector.multi_reduction <minsi>, %reduce_min3A_625, %reduce_min3A_626 [1, 2] : vector<1x1x10000xi32> to vector<1xi32>
      %reduce_min3A_628 = vector.shape_cast %reduce_min3A_627 : vector<1xi32> to vector<1x1x1xi32>
      %reduce_min3A_629 = vector.extract %reduce_min3A_628[0, 0, 0] : i32 from vector<1x1x1xi32>
      %eq3A_630 = vector.broadcast %reduce_min3A_629 : i32 to vector<1x10000xi32>
      %eq3A_631 = arith.cmpi eq, %iota3A, %eq3A_630 : vector<1x10000xi32>
      %jit3A_632 = arith.constant 0x7F800000 : f32
      %broadcast_in_dim3A_633 = vector.broadcast %jit3A_632 : f32 to vector<1x10000xf32>
      %select_n3A_634 = arith.select %eq3A_631, %broadcast_in_dim3A_633, %select_n3A_614 : vector<1x10000xi1>, vector<1x10000xf32>
      %reduce_min3A_635 = vector.shape_cast %select_n3A_634 : vector<1x10000xf32> to vector<1x1x10000xf32>
      %reduce_min3A_636 = arith.constant dense<0x7F800000> : vector<1xf32>
      %reduce_min3A_637 = vector.multi_reduction <minimumf>, %reduce_min3A_635, %reduce_min3A_636 [1, 2] : vector<1x1x10000xf32> to vector<1xf32>
      %reduce_min3A_638 = vector.shape_cast %reduce_min3A_637 : vector<1xf32> to vector<1x1x1xf32>
      %reduce_min3A_639 = vector.extract %reduce_min3A_638[0, 0, 0] : f32 from vector<1x1x1xf32>
      %eq3A_640 = vector.broadcast %reduce_min3A_639 : f32 to vector<1x10000xf32>
      %eq3A_641 = arith.cmpf oeq, %select_n3A_634, %eq3A_640 : vector<1x10000xf32>
      %jit3A_642 = arith.constant 1073741824 : i32
      %broadcast_in_dim3A_643 = vector.broadcast %jit3A_642 : i32 to vector<1x10000xi32>
      %select_n3A_644 = arith.select %eq3A_641, %iota3A, %broadcast_in_dim3A_643 : vector<1x10000xi1>, vector<1x10000xi32>
      %reduce_min3A_645 = vector.shape_cast %select_n3A_644 : vector<1x10000xi32> to vector<1x1x10000xi32>
      %reduce_min3A_646 = arith.constant dense<2147483647> : vector<1xi32>
      %reduce_min3A_647 = vector.multi_reduction <minsi>, %reduce_min3A_645, %reduce_min3A_646 [1, 2] : vector<1x1x10000xi32> to vector<1xi32>
      %reduce_min3A_648 = vector.shape_cast %reduce_min3A_647 : vector<1xi32> to vector<1x1x1xi32>
      %reduce_min3A_649 = vector.extract %reduce_min3A_648[0, 0, 0] : i32 from vector<1x1x1xi32>
      %eq3A_650 = vector.broadcast %reduce_min3A_29 : i32 to vector<1x10000xi32>
      %eq3A_651 = arith.cmpi eq, %iota3A, %eq3A_650 : vector<1x10000xi32>
      %convert_element_type3A_652 = arith.extui %eq3A_651 : vector<1x10000xi1> to vector<1x10000xi32>
      %convert_element_type3A_653 = arith.sitofp %convert_element_type3A_652 : vector<1x10000xi32> to vector<1x10000xf32>
      %eq3A_654 = vector.broadcast %reduce_min3A_49 : i32 to vector<1x10000xi32>
      %eq3A_655 = arith.cmpi eq, %iota3A, %eq3A_654 : vector<1x10000xi32>
      %convert_element_type3A_656 = arith.extui %eq3A_655 : vector<1x10000xi1> to vector<1x10000xi32>
      %convert_element_type3A_657 = arith.sitofp %convert_element_type3A_656 : vector<1x10000xi32> to vector<1x10000xf32>
      %eq3A_658 = vector.broadcast %reduce_min3A_69 : i32 to vector<1x10000xi32>
      %eq3A_659 = arith.cmpi eq, %iota3A, %eq3A_658 : vector<1x10000xi32>
      %convert_element_type3A_660 = arith.extui %eq3A_659 : vector<1x10000xi1> to vector<1x10000xi32>
      %convert_element_type3A_661 = arith.sitofp %convert_element_type3A_660 : vector<1x10000xi32> to vector<1x10000xf32>
      %eq3A_662 = vector.broadcast %reduce_min3A_89 : i32 to vector<1x10000xi32>
      %eq3A_663 = arith.cmpi eq, %iota3A, %eq3A_662 : vector<1x10000xi32>
      %convert_element_type3A_664 = arith.extui %eq3A_663 : vector<1x10000xi1> to vector<1x10000xi32>
      %convert_element_type3A_665 = arith.sitofp %convert_element_type3A_664 : vector<1x10000xi32> to vector<1x10000xf32>
      %eq3A_666 = vector.broadcast %reduce_min3A_109 : i32 to vector<1x10000xi32>
      %eq3A_667 = arith.cmpi eq, %iota3A, %eq3A_666 : vector<1x10000xi32>
      %convert_element_type3A_668 = arith.extui %eq3A_667 : vector<1x10000xi1> to vector<1x10000xi32>
      %convert_element_type3A_669 = arith.sitofp %convert_element_type3A_668 : vector<1x10000xi32> to vector<1x10000xf32>
      %eq3A_670 = vector.broadcast %reduce_min3A_129 : i32 to vector<1x10000xi32>
      %eq3A_671 = arith.cmpi eq, %iota3A, %eq3A_670 : vector<1x10000xi32>
      %convert_element_type3A_672 = arith.extui %eq3A_671 : vector<1x10000xi1> to vector<1x10000xi32>
      %convert_element_type3A_673 = arith.sitofp %convert_element_type3A_672 : vector<1x10000xi32> to vector<1x10000xf32>
      %eq3A_674 = vector.broadcast %reduce_min3A_149 : i32 to vector<1x10000xi32>
      %eq3A_675 = arith.cmpi eq, %iota3A, %eq3A_674 : vector<1x10000xi32>
      %convert_element_type3A_676 = arith.extui %eq3A_675 : vector<1x10000xi1> to vector<1x10000xi32>
      %convert_element_type3A_677 = arith.sitofp %convert_element_type3A_676 : vector<1x10000xi32> to vector<1x10000xf32>
      %eq3A_678 = vector.broadcast %reduce_min3A_169 : i32 to vector<1x10000xi32>
      %eq3A_679 = arith.cmpi eq, %iota3A, %eq3A_678 : vector<1x10000xi32>
      %convert_element_type3A_680 = arith.extui %eq3A_679 : vector<1x10000xi1> to vector<1x10000xi32>
      %convert_element_type3A_681 = arith.sitofp %convert_element_type3A_680 : vector<1x10000xi32> to vector<1x10000xf32>
      %eq3A_682 = vector.broadcast %reduce_min3A_189 : i32 to vector<1x10000xi32>
      %eq3A_683 = arith.cmpi eq, %iota3A, %eq3A_682 : vector<1x10000xi32>
      %convert_element_type3A_684 = arith.extui %eq3A_683 : vector<1x10000xi1> to vector<1x10000xi32>
      %convert_element_type3A_685 = arith.sitofp %convert_element_type3A_684 : vector<1x10000xi32> to vector<1x10000xf32>
      %eq3A_686 = vector.broadcast %reduce_min3A_209 : i32 to vector<1x10000xi32>
      %eq3A_687 = arith.cmpi eq, %iota3A, %eq3A_686 : vector<1x10000xi32>
      %convert_element_type3A_688 = arith.extui %eq3A_687 : vector<1x10000xi1> to vector<1x10000xi32>
      %convert_element_type3A_689 = arith.sitofp %convert_element_type3A_688 : vector<1x10000xi32> to vector<1x10000xf32>
      %eq3A_690 = vector.broadcast %reduce_min3A_229 : i32 to vector<1x10000xi32>
      %eq3A_691 = arith.cmpi eq, %iota3A, %eq3A_690 : vector<1x10000xi32>
      %convert_element_type3A_692 = arith.extui %eq3A_691 : vector<1x10000xi1> to vector<1x10000xi32>
      %convert_element_type3A_693 = arith.sitofp %convert_element_type3A_692 : vector<1x10000xi32> to vector<1x10000xf32>
      %eq3A_694 = vector.broadcast %reduce_min3A_249 : i32 to vector<1x10000xi32>
      %eq3A_695 = arith.cmpi eq, %iota3A, %eq3A_694 : vector<1x10000xi32>
      %convert_element_type3A_696 = arith.extui %eq3A_695 : vector<1x10000xi1> to vector<1x10000xi32>
      %convert_element_type3A_697 = arith.sitofp %convert_element_type3A_696 : vector<1x10000xi32> to vector<1x10000xf32>
      %eq3A_698 = vector.broadcast %reduce_min3A_269 : i32 to vector<1x10000xi32>
      %eq3A_699 = arith.cmpi eq, %iota3A, %eq3A_698 : vector<1x10000xi32>
      %convert_element_type3A_700 = arith.extui %eq3A_699 : vector<1x10000xi1> to vector<1x10000xi32>
      %convert_element_type3A_701 = arith.sitofp %convert_element_type3A_700 : vector<1x10000xi32> to vector<1x10000xf32>
      %eq3A_702 = vector.broadcast %reduce_min3A_289 : i32 to vector<1x10000xi32>
      %eq3A_703 = arith.cmpi eq, %iota3A, %eq3A_702 : vector<1x10000xi32>
      %convert_element_type3A_704 = arith.extui %eq3A_703 : vector<1x10000xi1> to vector<1x10000xi32>
      %convert_element_type3A_705 = arith.sitofp %convert_element_type3A_704 : vector<1x10000xi32> to vector<1x10000xf32>
      %eq3A_706 = vector.broadcast %reduce_min3A_309 : i32 to vector<1x10000xi32>
      %eq3A_707 = arith.cmpi eq, %iota3A, %eq3A_706 : vector<1x10000xi32>
      %convert_element_type3A_708 = arith.extui %eq3A_707 : vector<1x10000xi1> to vector<1x10000xi32>
      %convert_element_type3A_709 = arith.sitofp %convert_element_type3A_708 : vector<1x10000xi32> to vector<1x10000xf32>
      %eq3A_710 = vector.broadcast %reduce_min3A_329 : i32 to vector<1x10000xi32>
      %eq3A_711 = arith.cmpi eq, %iota3A, %eq3A_710 : vector<1x10000xi32>
      %convert_element_type3A_712 = arith.extui %eq3A_711 : vector<1x10000xi1> to vector<1x10000xi32>
      %convert_element_type3A_713 = arith.sitofp %convert_element_type3A_712 : vector<1x10000xi32> to vector<1x10000xf32>
      %eq3A_714 = vector.broadcast %reduce_min3A_349 : i32 to vector<1x10000xi32>
      %eq3A_715 = arith.cmpi eq, %iota3A, %eq3A_714 : vector<1x10000xi32>
      %convert_element_type3A_716 = arith.extui %eq3A_715 : vector<1x10000xi1> to vector<1x10000xi32>
      %convert_element_type3A_717 = arith.sitofp %convert_element_type3A_716 : vector<1x10000xi32> to vector<1x10000xf32>
      %eq3A_718 = vector.broadcast %reduce_min3A_369 : i32 to vector<1x10000xi32>
      %eq3A_719 = arith.cmpi eq, %iota3A, %eq3A_718 : vector<1x10000xi32>
      %convert_element_type3A_720 = arith.extui %eq3A_719 : vector<1x10000xi1> to vector<1x10000xi32>
      %convert_element_type3A_721 = arith.sitofp %convert_element_type3A_720 : vector<1x10000xi32> to vector<1x10000xf32>
      %eq3A_722 = vector.broadcast %reduce_min3A_389 : i32 to vector<1x10000xi32>
      %eq3A_723 = arith.cmpi eq, %iota3A, %eq3A_722 : vector<1x10000xi32>
      %convert_element_type3A_724 = arith.extui %eq3A_723 : vector<1x10000xi1> to vector<1x10000xi32>
      %convert_element_type3A_725 = arith.sitofp %convert_element_type3A_724 : vector<1x10000xi32> to vector<1x10000xf32>
      %eq3A_726 = vector.broadcast %reduce_min3A_409 : i32 to vector<1x10000xi32>
      %eq3A_727 = arith.cmpi eq, %iota3A, %eq3A_726 : vector<1x10000xi32>
      %convert_element_type3A_728 = arith.extui %eq3A_727 : vector<1x10000xi1> to vector<1x10000xi32>
      %convert_element_type3A_729 = arith.sitofp %convert_element_type3A_728 : vector<1x10000xi32> to vector<1x10000xf32>
      %eq3A_730 = vector.broadcast %reduce_min3A_429 : i32 to vector<1x10000xi32>
      %eq3A_731 = arith.cmpi eq, %iota3A, %eq3A_730 : vector<1x10000xi32>
      %convert_element_type3A_732 = arith.extui %eq3A_731 : vector<1x10000xi1> to vector<1x10000xi32>
      %convert_element_type3A_733 = arith.sitofp %convert_element_type3A_732 : vector<1x10000xi32> to vector<1x10000xf32>
      %eq3A_734 = vector.broadcast %reduce_min3A_449 : i32 to vector<1x10000xi32>
      %eq3A_735 = arith.cmpi eq, %iota3A, %eq3A_734 : vector<1x10000xi32>
      %convert_element_type3A_736 = arith.extui %eq3A_735 : vector<1x10000xi1> to vector<1x10000xi32>
      %convert_element_type3A_737 = arith.sitofp %convert_element_type3A_736 : vector<1x10000xi32> to vector<1x10000xf32>
      %eq3A_738 = vector.broadcast %reduce_min3A_469 : i32 to vector<1x10000xi32>
      %eq3A_739 = arith.cmpi eq, %iota3A, %eq3A_738 : vector<1x10000xi32>
      %convert_element_type3A_740 = arith.extui %eq3A_739 : vector<1x10000xi1> to vector<1x10000xi32>
      %convert_element_type3A_741 = arith.sitofp %convert_element_type3A_740 : vector<1x10000xi32> to vector<1x10000xf32>
      %eq3A_742 = vector.broadcast %reduce_min3A_489 : i32 to vector<1x10000xi32>
      %eq3A_743 = arith.cmpi eq, %iota3A, %eq3A_742 : vector<1x10000xi32>
      %convert_element_type3A_744 = arith.extui %eq3A_743 : vector<1x10000xi1> to vector<1x10000xi32>
      %convert_element_type3A_745 = arith.sitofp %convert_element_type3A_744 : vector<1x10000xi32> to vector<1x10000xf32>
      %eq3A_746 = vector.broadcast %reduce_min3A_509 : i32 to vector<1x10000xi32>
      %eq3A_747 = arith.cmpi eq, %iota3A, %eq3A_746 : vector<1x10000xi32>
      %convert_element_type3A_748 = arith.extui %eq3A_747 : vector<1x10000xi1> to vector<1x10000xi32>
      %convert_element_type3A_749 = arith.sitofp %convert_element_type3A_748 : vector<1x10000xi32> to vector<1x10000xf32>
      %eq3A_750 = vector.broadcast %reduce_min3A_529 : i32 to vector<1x10000xi32>
      %eq3A_751 = arith.cmpi eq, %iota3A, %eq3A_750 : vector<1x10000xi32>
      %convert_element_type3A_752 = arith.extui %eq3A_751 : vector<1x10000xi1> to vector<1x10000xi32>
      %convert_element_type3A_753 = arith.sitofp %convert_element_type3A_752 : vector<1x10000xi32> to vector<1x10000xf32>
      %eq3A_754 = vector.broadcast %reduce_min3A_549 : i32 to vector<1x10000xi32>
      %eq3A_755 = arith.cmpi eq, %iota3A, %eq3A_754 : vector<1x10000xi32>
      %convert_element_type3A_756 = arith.extui %eq3A_755 : vector<1x10000xi1> to vector<1x10000xi32>
      %convert_element_type3A_757 = arith.sitofp %convert_element_type3A_756 : vector<1x10000xi32> to vector<1x10000xf32>
      %eq3A_758 = vector.broadcast %reduce_min3A_569 : i32 to vector<1x10000xi32>
      %eq3A_759 = arith.cmpi eq, %iota3A, %eq3A_758 : vector<1x10000xi32>
      %convert_element_type3A_760 = arith.extui %eq3A_759 : vector<1x10000xi1> to vector<1x10000xi32>
      %convert_element_type3A_761 = arith.sitofp %convert_element_type3A_760 : vector<1x10000xi32> to vector<1x10000xf32>
      %eq3A_762 = vector.broadcast %reduce_min3A_589 : i32 to vector<1x10000xi32>
      %eq3A_763 = arith.cmpi eq, %iota3A, %eq3A_762 : vector<1x10000xi32>
      %convert_element_type3A_764 = arith.extui %eq3A_763 : vector<1x10000xi1> to vector<1x10000xi32>
      %convert_element_type3A_765 = arith.sitofp %convert_element_type3A_764 : vector<1x10000xi32> to vector<1x10000xf32>
      %eq3A_766 = vector.broadcast %reduce_min3A_609 : i32 to vector<1x10000xi32>
      %eq3A_767 = arith.cmpi eq, %iota3A, %eq3A_766 : vector<1x10000xi32>
      %convert_element_type3A_768 = arith.extui %eq3A_767 : vector<1x10000xi1> to vector<1x10000xi32>
      %convert_element_type3A_769 = arith.sitofp %convert_element_type3A_768 : vector<1x10000xi32> to vector<1x10000xf32>
      %eq3A_770 = vector.broadcast %reduce_min3A_629 : i32 to vector<1x10000xi32>
      %eq3A_771 = arith.cmpi eq, %iota3A, %eq3A_770 : vector<1x10000xi32>
      %convert_element_type3A_772 = arith.extui %eq3A_771 : vector<1x10000xi1> to vector<1x10000xi32>
      %convert_element_type3A_773 = arith.sitofp %convert_element_type3A_772 : vector<1x10000xi32> to vector<1x10000xf32>
      %eq3A_774 = vector.broadcast %reduce_min3A_649 : i32 to vector<1x10000xi32>
      %eq3A_775 = arith.cmpi eq, %iota3A, %eq3A_774 : vector<1x10000xi32>
      %convert_element_type3A_776 = arith.extui %eq3A_775 : vector<1x10000xi1> to vector<1x10000xi32>
      %convert_element_type3A_777 = arith.sitofp %convert_element_type3A_776 : vector<1x10000xi32> to vector<1x10000xf32>
      %concatenate3A = tpu.concatenate %convert_element_type3A_653, %convert_element_type3A_657, %convert_element_type3A_661, %convert_element_type3A_665, %convert_element_type3A_669, %convert_element_type3A_673, %convert_element_type3A_677, %convert_element_type3A_681, %convert_element_type3A_685, %convert_element_type3A_689, %convert_element_type3A_693, %convert_element_type3A_697, %convert_element_type3A_701, %convert_element_type3A_705, %convert_element_type3A_709, %convert_element_type3A_713, %convert_element_type3A_717, %convert_element_type3A_721, %convert_element_type3A_725, %convert_element_type3A_729, %convert_element_type3A_733, %convert_element_type3A_737, %convert_element_type3A_741, %convert_element_type3A_745, %convert_element_type3A_749, %convert_element_type3A_753, %convert_element_type3A_757, %convert_element_type3A_761, %convert_element_type3A_765, %convert_element_type3A_769, %convert_element_type3A_773, %convert_element_type3A_777 in 0 : vector<1x10000xf32>, vector<1x10000xf32>, vector<1x10000xf32>, vector<1x10000xf32>, vector<1x10000xf32>, vector<1x10000xf32>, vector<1x10000xf32>, vector<1x10000xf32>, vector<1x10000xf32>, vector<1x10000xf32>, vector<1x10000xf32>, vector<1x10000xf32>, vector<1x10000xf32>, vector<1x10000xf32>, vector<1x10000xf32>, vector<1x10000xf32>, vector<1x10000xf32>, vector<1x10000xf32>, vector<1x10000xf32>, vector<1x10000xf32>, vector<1x10000xf32>, vector<1x10000xf32>, vector<1x10000xf32>, vector<1x10000xf32>, vector<1x10000xf32>, vector<1x10000xf32>, vector<1x10000xf32>, vector<1x10000xf32>, vector<1x10000xf32>, vector<1x10000xf32>, vector<1x10000xf32>, vector<1x10000xf32> -> vector<32x10000xf32>
      %dot_general3A_778 = arith.constant dense<0.000000e+00> : vector<100x32xf32>
      %dot_general3A_779 = tpu.matmul %get3A_14, %concatenate3A, %dot_general3A_778 {dimension_numbers = #tpu.dot_dimension_numbers<[1], [1], [0], [0], [0, 0, 1, 0], [], []>, precision = #tpu.contract_precision<fp32>, transpose_lhs_hint = false} : vector<100x10000xf32>, vector<32x10000xf32>, vector<100x32xf32> -> vector<100x32xf32>
      %reshape3A = vector.broadcast %reduce_min3A_29 : i32 to vector<1x1xi32>
      %reshape3A_780 = vector.broadcast %reduce_min3A_49 : i32 to vector<1x1xi32>
      %reshape3A_781 = vector.broadcast %reduce_min3A_69 : i32 to vector<1x1xi32>
      %reshape3A_782 = vector.broadcast %reduce_min3A_89 : i32 to vector<1x1xi32>
      %reshape3A_783 = vector.broadcast %reduce_min3A_109 : i32 to vector<1x1xi32>
      %reshape3A_784 = vector.broadcast %reduce_min3A_129 : i32 to vector<1x1xi32>
      %reshape3A_785 = vector.broadcast %reduce_min3A_149 : i32 to vector<1x1xi32>
      %reshape3A_786 = vector.broadcast %reduce_min3A_169 : i32 to vector<1x1xi32>
      %reshape3A_787 = vector.broadcast %reduce_min3A_189 : i32 to vector<1x1xi32>
      %reshape3A_788 = vector.broadcast %reduce_min3A_209 : i32 to vector<1x1xi32>
      %reshape3A_789 = vector.broadcast %reduce_min3A_229 : i32 to vector<1x1xi32>
      %reshape3A_790 = vector.broadcast %reduce_min3A_249 : i32 to vector<1x1xi32>
      %reshape3A_791 = vector.broadcast %reduce_min3A_269 : i32 to vector<1x1xi32>
      %reshape3A_792 = vector.broadcast %reduce_min3A_289 : i32 to vector<1x1xi32>
      %reshape3A_793 = vector.broadcast %reduce_min3A_309 : i32 to vector<1x1xi32>
      %reshape3A_794 = vector.broadcast %reduce_min3A_329 : i32 to vector<1x1xi32>
      %reshape3A_795 = vector.broadcast %reduce_min3A_349 : i32 to vector<1x1xi32>
      %reshape3A_796 = vector.broadcast %reduce_min3A_369 : i32 to vector<1x1xi32>
      %reshape3A_797 = vector.broadcast %reduce_min3A_389 : i32 to vector<1x1xi32>
      %reshape3A_798 = vector.broadcast %reduce_min3A_409 : i32 to vector<1x1xi32>
      %reshape3A_799 = vector.broadcast %reduce_min3A_429 : i32 to vector<1x1xi32>
      %reshape3A_800 = vector.broadcast %reduce_min3A_449 : i32 to vector<1x1xi32>
      %reshape3A_801 = vector.broadcast %reduce_min3A_469 : i32 to vector<1x1xi32>
      %reshape3A_802 = vector.broadcast %reduce_min3A_489 : i32 to vector<1x1xi32>
      %reshape3A_803 = vector.broadcast %reduce_min3A_509 : i32 to vector<1x1xi32>
      %reshape3A_804 = vector.broadcast %reduce_min3A_529 : i32 to vector<1x1xi32>
      %reshape3A_805 = vector.broadcast %reduce_min3A_549 : i32 to vector<1x1xi32>
      %reshape3A_806 = vector.broadcast %reduce_min3A_569 : i32 to vector<1x1xi32>
      %reshape3A_807 = vector.broadcast %reduce_min3A_589 : i32 to vector<1x1xi32>
      %reshape3A_808 = vector.broadcast %reduce_min3A_609 : i32 to vector<1x1xi32>
      %reshape3A_809 = vector.broadcast %reduce_min3A_629 : i32 to vector<1x1xi32>
      %reshape3A_810 = vector.broadcast %reduce_min3A_649 : i32 to vector<1x1xi32>
      %concatenate3A_811 = tpu.concatenate %reshape3A, %reshape3A_780, %reshape3A_781, %reshape3A_782, %reshape3A_783, %reshape3A_784, %reshape3A_785, %reshape3A_786, %reshape3A_787, %reshape3A_788, %reshape3A_789, %reshape3A_790, %reshape3A_791, %reshape3A_792, %reshape3A_793, %reshape3A_794, %reshape3A_795, %reshape3A_796, %reshape3A_797, %reshape3A_798, %reshape3A_799, %reshape3A_800, %reshape3A_801, %reshape3A_802, %reshape3A_803, %reshape3A_804, %reshape3A_805, %reshape3A_806, %reshape3A_807, %reshape3A_808, %reshape3A_809, %reshape3A_810 in 1 : vector<1x1xi32>, vector<1x1xi32>, vector<1x1xi32>, vector<1x1xi32>, vector<1x1xi32>, vector<1x1xi32>, vector<1x1xi32>, vector<1x1xi32>, vector<1x1xi32>, vector<1x1xi32>, vector<1x1xi32>, vector<1x1xi32>, vector<1x1xi32>, vector<1x1xi32>, vector<1x1xi32>, vector<1x1xi32>, vector<1x1xi32>, vector<1x1xi32>, vector<1x1xi32>, vector<1x1xi32>, vector<1x1xi32>, vector<1x1xi32>, vector<1x1xi32>, vector<1x1xi32>, vector<1x1xi32>, vector<1x1xi32>, vector<1x1xi32>, vector<1x1xi32>, vector<1x1xi32>, vector<1x1xi32>, vector<1x1xi32>, vector<1x1xi32> -> vector<1x32xi32>
      %iota3A_812 = tpu.iota {dimensions = array<i32: 0>} : vector<100x32xi32>
      %mul3A_813 = arith.constant 10000 : i32
      %mul3A_814 = vector.broadcast %mul3A_813 : i32 to vector<100x32xi32>
      %mul3A_815 = arith.muli %iota3A_812, %mul3A_814 : vector<100x32xi32>
      %add3A = vector.broadcast %concatenate3A_811 : vector<1x32xi32> to vector<100x32xi32>
      %add3A_816 = arith.addi %mul3A_815, %add3A : vector<100x32xi32>
      %iota3A_817 = tpu.iota {dimensions = array<i32: 1>} : vector<1x32xi32>
      %broadcast_in_dim3A_818 = arith.constant 0.000000e+00 : f32
      %broadcast_in_dim3A_819 = vector.broadcast %broadcast_in_dim3A_818 : f32 to vector<1x32xf32>
      %broadcast_in_dim3A_820 = arith.constant 0 : i32
      %broadcast_in_dim3A_821 = vector.broadcast %broadcast_in_dim3A_820 : i32 to vector<1x32xi32>
      %reduce_min3A_822 = vector.shape_cast %dot_general3A_779 : vector<100x32xf32> to vector<1x100x32xf32>
      %reduce_min3A_823 = arith.constant dense<0x7F800000> : vector<1xf32>
      %reduce_min3A_824 = vector.multi_reduction <minimumf>, %reduce_min3A_822, %reduce_min3A_823 [1, 2] : vector<1x100x32xf32> to vector<1xf32>
      %reduce_min3A_825 = vector.shape_cast %reduce_min3A_824 : vector<1xf32> to vector<1x1x1xf32>
      %reduce_min3A_826 = vector.extract %reduce_min3A_825[0, 0, 0] : f32 from vector<1x1x1xf32>
      %eq3A_827 = vector.broadcast %reduce_min3A_826 : f32 to vector<100x32xf32>
      %eq3A_828 = arith.cmpf oeq, %dot_general3A_779, %eq3A_827 : vector<100x32xf32>
      %jit3A_829 = arith.constant 1073741824 : i32
      %broadcast_in_dim3A_830 = vector.broadcast %jit3A_829 : i32 to vector<100x32xi32>
      %select_n3A_831 = arith.select %eq3A_828, %add3A_816, %broadcast_in_dim3A_830 : vector<100x32xi1>, vector<100x32xi32>
      %reduce_min3A_832 = vector.shape_cast %select_n3A_831 : vector<100x32xi32> to vector<1x100x32xi32>
      %reduce_min3A_833 = arith.constant dense<2147483647> : vector<1xi32>
      %reduce_min3A_834 = vector.multi_reduction <minsi>, %reduce_min3A_832, %reduce_min3A_833 [1, 2] : vector<1x100x32xi32> to vector<1xi32>
      %reduce_min3A_835 = vector.shape_cast %reduce_min3A_834 : vector<1xi32> to vector<1x1x1xi32>
      %reduce_min3A_836 = vector.extract %reduce_min3A_835[0, 0, 0] : i32 from vector<1x1x1xi32>
      %eq3A_837 = arith.constant 0 : i32
      %eq3A_838 = vector.broadcast %eq3A_837 : i32 to vector<1x32xi32>
      %eq3A_839 = arith.cmpi eq, %iota3A_817, %eq3A_838 : vector<1x32xi32>
      %broadcast_in_dim3A_840 = vector.broadcast %reduce_min3A_826 : f32 to vector<1x32xf32>
      %select_n3A_841 = arith.select %eq3A_839, %broadcast_in_dim3A_840, %broadcast_in_dim3A_819 : vector<1x32xi1>, vector<1x32xf32>
      %eq3A_842 = arith.constant 0 : i32
      %eq3A_843 = vector.broadcast %eq3A_842 : i32 to vector<1x32xi32>
      %eq3A_844 = arith.cmpi eq, %iota3A_817, %eq3A_843 : vector<1x32xi32>
      %broadcast_in_dim3A_845 = vector.broadcast %reduce_min3A_836 : i32 to vector<1x32xi32>
      %select_n3A_846 = arith.select %eq3A_844, %broadcast_in_dim3A_845, %broadcast_in_dim3A_821 : vector<1x32xi1>, vector<1x32xi32>
      %eq3A_847 = vector.broadcast %reduce_min3A_826 : f32 to vector<100x32xf32>
      %eq3A_848 = arith.cmpf oeq, %dot_general3A_779, %eq3A_847 : vector<100x32xf32>
      %eq3A_849 = vector.broadcast %reduce_min3A_836 : i32 to vector<100x32xi32>
      %eq3A_850 = arith.cmpi eq, %add3A_816, %eq3A_849 : vector<100x32xi32>
      %and3A = arith.andi %eq3A_848, %eq3A_850 : vector<100x32xi1>
      %jit3A_851 = arith.constant 0x7F800000 : f32
      %broadcast_in_dim3A_852 = vector.broadcast %jit3A_851 : f32 to vector<100x32xf32>
      %select_n3A_853 = arith.select %and3A, %broadcast_in_dim3A_852, %dot_general3A_779 : vector<100x32xi1>, vector<100x32xf32>
      %reduce_min3A_854 = vector.shape_cast %select_n3A_853 : vector<100x32xf32> to vector<1x100x32xf32>
      %reduce_min3A_855 = arith.constant dense<0x7F800000> : vector<1xf32>
      %reduce_min3A_856 = vector.multi_reduction <minimumf>, %reduce_min3A_854, %reduce_min3A_855 [1, 2] : vector<1x100x32xf32> to vector<1xf32>
      %reduce_min3A_857 = vector.shape_cast %reduce_min3A_856 : vector<1xf32> to vector<1x1x1xf32>
      %reduce_min3A_858 = vector.extract %reduce_min3A_857[0, 0, 0] : f32 from vector<1x1x1xf32>
      %eq3A_859 = vector.broadcast %reduce_min3A_858 : f32 to vector<100x32xf32>
      %eq3A_860 = arith.cmpf oeq, %select_n3A_853, %eq3A_859 : vector<100x32xf32>
      %jit3A_861 = arith.constant 1073741824 : i32
      %broadcast_in_dim3A_862 = vector.broadcast %jit3A_861 : i32 to vector<100x32xi32>
      %select_n3A_863 = arith.select %eq3A_860, %add3A_816, %broadcast_in_dim3A_862 : vector<100x32xi1>, vector<100x32xi32>
      %reduce_min3A_864 = vector.shape_cast %select_n3A_863 : vector<100x32xi32> to vector<1x100x32xi32>
      %reduce_min3A_865 = arith.constant dense<2147483647> : vector<1xi32>
      %reduce_min3A_866 = vector.multi_reduction <minsi>, %reduce_min3A_864, %reduce_min3A_865 [1, 2] : vector<1x100x32xi32> to vector<1xi32>
      %reduce_min3A_867 = vector.shape_cast %reduce_min3A_866 : vector<1xi32> to vector<1x1x1xi32>
      %reduce_min3A_868 = vector.extract %reduce_min3A_867[0, 0, 0] : i32 from vector<1x1x1xi32>
      %eq3A_869 = arith.constant 1 : i32
      %eq3A_870 = vector.broadcast %eq3A_869 : i32 to vector<1x32xi32>
      %eq3A_871 = arith.cmpi eq, %iota3A_817, %eq3A_870 : vector<1x32xi32>
      %broadcast_in_dim3A_872 = vector.broadcast %reduce_min3A_858 : f32 to vector<1x32xf32>
      %select_n3A_873 = arith.select %eq3A_871, %broadcast_in_dim3A_872, %select_n3A_841 : vector<1x32xi1>, vector<1x32xf32>
      %eq3A_874 = arith.constant 1 : i32
      %eq3A_875 = vector.broadcast %eq3A_874 : i32 to vector<1x32xi32>
      %eq3A_876 = arith.cmpi eq, %iota3A_817, %eq3A_875 : vector<1x32xi32>
      %broadcast_in_dim3A_877 = vector.broadcast %reduce_min3A_868 : i32 to vector<1x32xi32>
      %select_n3A_878 = arith.select %eq3A_876, %broadcast_in_dim3A_877, %select_n3A_846 : vector<1x32xi1>, vector<1x32xi32>
      %eq3A_879 = vector.broadcast %reduce_min3A_858 : f32 to vector<100x32xf32>
      %eq3A_880 = arith.cmpf oeq, %select_n3A_853, %eq3A_879 : vector<100x32xf32>
      %eq3A_881 = vector.broadcast %reduce_min3A_868 : i32 to vector<100x32xi32>
      %eq3A_882 = arith.cmpi eq, %add3A_816, %eq3A_881 : vector<100x32xi32>
      %and3A_883 = arith.andi %eq3A_880, %eq3A_882 : vector<100x32xi1>
      %jit3A_884 = arith.constant 0x7F800000 : f32
      %broadcast_in_dim3A_885 = vector.broadcast %jit3A_884 : f32 to vector<100x32xf32>
      %select_n3A_886 = arith.select %and3A_883, %broadcast_in_dim3A_885, %select_n3A_853 : vector<100x32xi1>, vector<100x32xf32>
      %reduce_min3A_887 = vector.shape_cast %select_n3A_886 : vector<100x32xf32> to vector<1x100x32xf32>
      %reduce_min3A_888 = arith.constant dense<0x7F800000> : vector<1xf32>
      %reduce_min3A_889 = vector.multi_reduction <minimumf>, %reduce_min3A_887, %reduce_min3A_888 [1, 2] : vector<1x100x32xf32> to vector<1xf32>
      %reduce_min3A_890 = vector.shape_cast %reduce_min3A_889 : vector<1xf32> to vector<1x1x1xf32>
      %reduce_min3A_891 = vector.extract %reduce_min3A_890[0, 0, 0] : f32 from vector<1x1x1xf32>
      %eq3A_892 = vector.broadcast %reduce_min3A_891 : f32 to vector<100x32xf32>
      %eq3A_893 = arith.cmpf oeq, %select_n3A_886, %eq3A_892 : vector<100x32xf32>
      %jit3A_894 = arith.constant 1073741824 : i32
      %broadcast_in_dim3A_895 = vector.broadcast %jit3A_894 : i32 to vector<100x32xi32>
      %select_n3A_896 = arith.select %eq3A_893, %add3A_816, %broadcast_in_dim3A_895 : vector<100x32xi1>, vector<100x32xi32>
      %reduce_min3A_897 = vector.shape_cast %select_n3A_896 : vector<100x32xi32> to vector<1x100x32xi32>
      %reduce_min3A_898 = arith.constant dense<2147483647> : vector<1xi32>
      %reduce_min3A_899 = vector.multi_reduction <minsi>, %reduce_min3A_897, %reduce_min3A_898 [1, 2] : vector<1x100x32xi32> to vector<1xi32>
      %reduce_min3A_900 = vector.shape_cast %reduce_min3A_899 : vector<1xi32> to vector<1x1x1xi32>
      %reduce_min3A_901 = vector.extract %reduce_min3A_900[0, 0, 0] : i32 from vector<1x1x1xi32>
      %eq3A_902 = arith.constant 2 : i32
      %eq3A_903 = vector.broadcast %eq3A_902 : i32 to vector<1x32xi32>
      %eq3A_904 = arith.cmpi eq, %iota3A_817, %eq3A_903 : vector<1x32xi32>
      %broadcast_in_dim3A_905 = vector.broadcast %reduce_min3A_891 : f32 to vector<1x32xf32>
      %select_n3A_906 = arith.select %eq3A_904, %broadcast_in_dim3A_905, %select_n3A_873 : vector<1x32xi1>, vector<1x32xf32>
      %eq3A_907 = arith.constant 2 : i32
      %eq3A_908 = vector.broadcast %eq3A_907 : i32 to vector<1x32xi32>
      %eq3A_909 = arith.cmpi eq, %iota3A_817, %eq3A_908 : vector<1x32xi32>
      %broadcast_in_dim3A_910 = vector.broadcast %reduce_min3A_901 : i32 to vector<1x32xi32>
      %select_n3A_911 = arith.select %eq3A_909, %broadcast_in_dim3A_910, %select_n3A_878 : vector<1x32xi1>, vector<1x32xi32>
      %eq3A_912 = vector.broadcast %reduce_min3A_891 : f32 to vector<100x32xf32>
      %eq3A_913 = arith.cmpf oeq, %select_n3A_886, %eq3A_912 : vector<100x32xf32>
      %eq3A_914 = vector.broadcast %reduce_min3A_901 : i32 to vector<100x32xi32>
      %eq3A_915 = arith.cmpi eq, %add3A_816, %eq3A_914 : vector<100x32xi32>
      %and3A_916 = arith.andi %eq3A_913, %eq3A_915 : vector<100x32xi1>
      %jit3A_917 = arith.constant 0x7F800000 : f32
      %broadcast_in_dim3A_918 = vector.broadcast %jit3A_917 : f32 to vector<100x32xf32>
      %select_n3A_919 = arith.select %and3A_916, %broadcast_in_dim3A_918, %select_n3A_886 : vector<100x32xi1>, vector<100x32xf32>
      %reduce_min3A_920 = vector.shape_cast %select_n3A_919 : vector<100x32xf32> to vector<1x100x32xf32>
      %reduce_min3A_921 = arith.constant dense<0x7F800000> : vector<1xf32>
      %reduce_min3A_922 = vector.multi_reduction <minimumf>, %reduce_min3A_920, %reduce_min3A_921 [1, 2] : vector<1x100x32xf32> to vector<1xf32>
      %reduce_min3A_923 = vector.shape_cast %reduce_min3A_922 : vector<1xf32> to vector<1x1x1xf32>
      %reduce_min3A_924 = vector.extract %reduce_min3A_923[0, 0, 0] : f32 from vector<1x1x1xf32>
      %eq3A_925 = vector.broadcast %reduce_min3A_924 : f32 to vector<100x32xf32>
      %eq3A_926 = arith.cmpf oeq, %select_n3A_919, %eq3A_925 : vector<100x32xf32>
      %jit3A_927 = arith.constant 1073741824 : i32
      %broadcast_in_dim3A_928 = vector.broadcast %jit3A_927 : i32 to vector<100x32xi32>
      %select_n3A_929 = arith.select %eq3A_926, %add3A_816, %broadcast_in_dim3A_928 : vector<100x32xi1>, vector<100x32xi32>
      %reduce_min3A_930 = vector.shape_cast %select_n3A_929 : vector<100x32xi32> to vector<1x100x32xi32>
      %reduce_min3A_931 = arith.constant dense<2147483647> : vector<1xi32>
      %reduce_min3A_932 = vector.multi_reduction <minsi>, %reduce_min3A_930, %reduce_min3A_931 [1, 2] : vector<1x100x32xi32> to vector<1xi32>
      %reduce_min3A_933 = vector.shape_cast %reduce_min3A_932 : vector<1xi32> to vector<1x1x1xi32>
      %reduce_min3A_934 = vector.extract %reduce_min3A_933[0, 0, 0] : i32 from vector<1x1x1xi32>
      %eq3A_935 = arith.constant 3 : i32
      %eq3A_936 = vector.broadcast %eq3A_935 : i32 to vector<1x32xi32>
      %eq3A_937 = arith.cmpi eq, %iota3A_817, %eq3A_936 : vector<1x32xi32>
      %broadcast_in_dim3A_938 = vector.broadcast %reduce_min3A_924 : f32 to vector<1x32xf32>
      %select_n3A_939 = arith.select %eq3A_937, %broadcast_in_dim3A_938, %select_n3A_906 : vector<1x32xi1>, vector<1x32xf32>
      %eq3A_940 = arith.constant 3 : i32
      %eq3A_941 = vector.broadcast %eq3A_940 : i32 to vector<1x32xi32>
      %eq3A_942 = arith.cmpi eq, %iota3A_817, %eq3A_941 : vector<1x32xi32>
      %broadcast_in_dim3A_943 = vector.broadcast %reduce_min3A_934 : i32 to vector<1x32xi32>
      %select_n3A_944 = arith.select %eq3A_942, %broadcast_in_dim3A_943, %select_n3A_911 : vector<1x32xi1>, vector<1x32xi32>
      %eq3A_945 = vector.broadcast %reduce_min3A_924 : f32 to vector<100x32xf32>
      %eq3A_946 = arith.cmpf oeq, %select_n3A_919, %eq3A_945 : vector<100x32xf32>
      %eq3A_947 = vector.broadcast %reduce_min3A_934 : i32 to vector<100x32xi32>
      %eq3A_948 = arith.cmpi eq, %add3A_816, %eq3A_947 : vector<100x32xi32>
      %and3A_949 = arith.andi %eq3A_946, %eq3A_948 : vector<100x32xi1>
      %jit3A_950 = arith.constant 0x7F800000 : f32
      %broadcast_in_dim3A_951 = vector.broadcast %jit3A_950 : f32 to vector<100x32xf32>
      %select_n3A_952 = arith.select %and3A_949, %broadcast_in_dim3A_951, %select_n3A_919 : vector<100x32xi1>, vector<100x32xf32>
      %reduce_min3A_953 = vector.shape_cast %select_n3A_952 : vector<100x32xf32> to vector<1x100x32xf32>
      %reduce_min3A_954 = arith.constant dense<0x7F800000> : vector<1xf32>
      %reduce_min3A_955 = vector.multi_reduction <minimumf>, %reduce_min3A_953, %reduce_min3A_954 [1, 2] : vector<1x100x32xf32> to vector<1xf32>
      %reduce_min3A_956 = vector.shape_cast %reduce_min3A_955 : vector<1xf32> to vector<1x1x1xf32>
      %reduce_min3A_957 = vector.extract %reduce_min3A_956[0, 0, 0] : f32 from vector<1x1x1xf32>
      %eq3A_958 = vector.broadcast %reduce_min3A_957 : f32 to vector<100x32xf32>
      %eq3A_959 = arith.cmpf oeq, %select_n3A_952, %eq3A_958 : vector<100x32xf32>
      %jit3A_960 = arith.constant 1073741824 : i32
      %broadcast_in_dim3A_961 = vector.broadcast %jit3A_960 : i32 to vector<100x32xi32>
      %select_n3A_962 = arith.select %eq3A_959, %add3A_816, %broadcast_in_dim3A_961 : vector<100x32xi1>, vector<100x32xi32>
      %reduce_min3A_963 = vector.shape_cast %select_n3A_962 : vector<100x32xi32> to vector<1x100x32xi32>
      %reduce_min3A_964 = arith.constant dense<2147483647> : vector<1xi32>
      %reduce_min3A_965 = vector.multi_reduction <minsi>, %reduce_min3A_963, %reduce_min3A_964 [1, 2] : vector<1x100x32xi32> to vector<1xi32>
      %reduce_min3A_966 = vector.shape_cast %reduce_min3A_965 : vector<1xi32> to vector<1x1x1xi32>
      %reduce_min3A_967 = vector.extract %reduce_min3A_966[0, 0, 0] : i32 from vector<1x1x1xi32>
      %eq3A_968 = arith.constant 4 : i32
      %eq3A_969 = vector.broadcast %eq3A_968 : i32 to vector<1x32xi32>
      %eq3A_970 = arith.cmpi eq, %iota3A_817, %eq3A_969 : vector<1x32xi32>
      %broadcast_in_dim3A_971 = vector.broadcast %reduce_min3A_957 : f32 to vector<1x32xf32>
      %select_n3A_972 = arith.select %eq3A_970, %broadcast_in_dim3A_971, %select_n3A_939 : vector<1x32xi1>, vector<1x32xf32>
      %eq3A_973 = arith.constant 4 : i32
      %eq3A_974 = vector.broadcast %eq3A_973 : i32 to vector<1x32xi32>
      %eq3A_975 = arith.cmpi eq, %iota3A_817, %eq3A_974 : vector<1x32xi32>
      %broadcast_in_dim3A_976 = vector.broadcast %reduce_min3A_967 : i32 to vector<1x32xi32>
      %select_n3A_977 = arith.select %eq3A_975, %broadcast_in_dim3A_976, %select_n3A_944 : vector<1x32xi1>, vector<1x32xi32>
      %eq3A_978 = vector.broadcast %reduce_min3A_957 : f32 to vector<100x32xf32>
      %eq3A_979 = arith.cmpf oeq, %select_n3A_952, %eq3A_978 : vector<100x32xf32>
      %eq3A_980 = vector.broadcast %reduce_min3A_967 : i32 to vector<100x32xi32>
      %eq3A_981 = arith.cmpi eq, %add3A_816, %eq3A_980 : vector<100x32xi32>
      %and3A_982 = arith.andi %eq3A_979, %eq3A_981 : vector<100x32xi1>
      %jit3A_983 = arith.constant 0x7F800000 : f32
      %broadcast_in_dim3A_984 = vector.broadcast %jit3A_983 : f32 to vector<100x32xf32>
      %select_n3A_985 = arith.select %and3A_982, %broadcast_in_dim3A_984, %select_n3A_952 : vector<100x32xi1>, vector<100x32xf32>
      %reduce_min3A_986 = vector.shape_cast %select_n3A_985 : vector<100x32xf32> to vector<1x100x32xf32>
      %reduce_min3A_987 = arith.constant dense<0x7F800000> : vector<1xf32>
      %reduce_min3A_988 = vector.multi_reduction <minimumf>, %reduce_min3A_986, %reduce_min3A_987 [1, 2] : vector<1x100x32xf32> to vector<1xf32>
      %reduce_min3A_989 = vector.shape_cast %reduce_min3A_988 : vector<1xf32> to vector<1x1x1xf32>
      %reduce_min3A_990 = vector.extract %reduce_min3A_989[0, 0, 0] : f32 from vector<1x1x1xf32>
      %eq3A_991 = vector.broadcast %reduce_min3A_990 : f32 to vector<100x32xf32>
      %eq3A_992 = arith.cmpf oeq, %select_n3A_985, %eq3A_991 : vector<100x32xf32>
      %jit3A_993 = arith.constant 1073741824 : i32
      %broadcast_in_dim3A_994 = vector.broadcast %jit3A_993 : i32 to vector<100x32xi32>
      %select_n3A_995 = arith.select %eq3A_992, %add3A_816, %broadcast_in_dim3A_994 : vector<100x32xi1>, vector<100x32xi32>
      %reduce_min3A_996 = vector.shape_cast %select_n3A_995 : vector<100x32xi32> to vector<1x100x32xi32>
      %reduce_min3A_997 = arith.constant dense<2147483647> : vector<1xi32>
      %reduce_min3A_998 = vector.multi_reduction <minsi>, %reduce_min3A_996, %reduce_min3A_997 [1, 2] : vector<1x100x32xi32> to vector<1xi32>
      %reduce_min3A_999 = vector.shape_cast %reduce_min3A_998 : vector<1xi32> to vector<1x1x1xi32>
      %reduce_min3A_1000 = vector.extract %reduce_min3A_999[0, 0, 0] : i32 from vector<1x1x1xi32>
      %eq3A_1001 = arith.constant 5 : i32
      %eq3A_1002 = vector.broadcast %eq3A_1001 : i32 to vector<1x32xi32>
      %eq3A_1003 = arith.cmpi eq, %iota3A_817, %eq3A_1002 : vector<1x32xi32>
      %broadcast_in_dim3A_1004 = vector.broadcast %reduce_min3A_990 : f32 to vector<1x32xf32>
      %select_n3A_1005 = arith.select %eq3A_1003, %broadcast_in_dim3A_1004, %select_n3A_972 : vector<1x32xi1>, vector<1x32xf32>
      %eq3A_1006 = arith.constant 5 : i32
      %eq3A_1007 = vector.broadcast %eq3A_1006 : i32 to vector<1x32xi32>
      %eq3A_1008 = arith.cmpi eq, %iota3A_817, %eq3A_1007 : vector<1x32xi32>
      %broadcast_in_dim3A_1009 = vector.broadcast %reduce_min3A_1000 : i32 to vector<1x32xi32>
      %select_n3A_1010 = arith.select %eq3A_1008, %broadcast_in_dim3A_1009, %select_n3A_977 : vector<1x32xi1>, vector<1x32xi32>
      %eq3A_1011 = vector.broadcast %reduce_min3A_990 : f32 to vector<100x32xf32>
      %eq3A_1012 = arith.cmpf oeq, %select_n3A_985, %eq3A_1011 : vector<100x32xf32>
      %eq3A_1013 = vector.broadcast %reduce_min3A_1000 : i32 to vector<100x32xi32>
      %eq3A_1014 = arith.cmpi eq, %add3A_816, %eq3A_1013 : vector<100x32xi32>
      %and3A_1015 = arith.andi %eq3A_1012, %eq3A_1014 : vector<100x32xi1>
      %jit3A_1016 = arith.constant 0x7F800000 : f32
      %broadcast_in_dim3A_1017 = vector.broadcast %jit3A_1016 : f32 to vector<100x32xf32>
      %select_n3A_1018 = arith.select %and3A_1015, %broadcast_in_dim3A_1017, %select_n3A_985 : vector<100x32xi1>, vector<100x32xf32>
      %reduce_min3A_1019 = vector.shape_cast %select_n3A_1018 : vector<100x32xf32> to vector<1x100x32xf32>
      %reduce_min3A_1020 = arith.constant dense<0x7F800000> : vector<1xf32>
      %reduce_min3A_1021 = vector.multi_reduction <minimumf>, %reduce_min3A_1019, %reduce_min3A_1020 [1, 2] : vector<1x100x32xf32> to vector<1xf32>
      %reduce_min3A_1022 = vector.shape_cast %reduce_min3A_1021 : vector<1xf32> to vector<1x1x1xf32>
      %reduce_min3A_1023 = vector.extract %reduce_min3A_1022[0, 0, 0] : f32 from vector<1x1x1xf32>
      %eq3A_1024 = vector.broadcast %reduce_min3A_1023 : f32 to vector<100x32xf32>
      %eq3A_1025 = arith.cmpf oeq, %select_n3A_1018, %eq3A_1024 : vector<100x32xf32>
      %jit3A_1026 = arith.constant 1073741824 : i32
      %broadcast_in_dim3A_1027 = vector.broadcast %jit3A_1026 : i32 to vector<100x32xi32>
      %select_n3A_1028 = arith.select %eq3A_1025, %add3A_816, %broadcast_in_dim3A_1027 : vector<100x32xi1>, vector<100x32xi32>
      %reduce_min3A_1029 = vector.shape_cast %select_n3A_1028 : vector<100x32xi32> to vector<1x100x32xi32>
      %reduce_min3A_1030 = arith.constant dense<2147483647> : vector<1xi32>
      %reduce_min3A_1031 = vector.multi_reduction <minsi>, %reduce_min3A_1029, %reduce_min3A_1030 [1, 2] : vector<1x100x32xi32> to vector<1xi32>
      %reduce_min3A_1032 = vector.shape_cast %reduce_min3A_1031 : vector<1xi32> to vector<1x1x1xi32>
      %reduce_min3A_1033 = vector.extract %reduce_min3A_1032[0, 0, 0] : i32 from vector<1x1x1xi32>
      %eq3A_1034 = arith.constant 6 : i32
      %eq3A_1035 = vector.broadcast %eq3A_1034 : i32 to vector<1x32xi32>
      %eq3A_1036 = arith.cmpi eq, %iota3A_817, %eq3A_1035 : vector<1x32xi32>
      %broadcast_in_dim3A_1037 = vector.broadcast %reduce_min3A_1023 : f32 to vector<1x32xf32>
      %select_n3A_1038 = arith.select %eq3A_1036, %broadcast_in_dim3A_1037, %select_n3A_1005 : vector<1x32xi1>, vector<1x32xf32>
      %eq3A_1039 = arith.constant 6 : i32
      %eq3A_1040 = vector.broadcast %eq3A_1039 : i32 to vector<1x32xi32>
      %eq3A_1041 = arith.cmpi eq, %iota3A_817, %eq3A_1040 : vector<1x32xi32>
      %broadcast_in_dim3A_1042 = vector.broadcast %reduce_min3A_1033 : i32 to vector<1x32xi32>
      %select_n3A_1043 = arith.select %eq3A_1041, %broadcast_in_dim3A_1042, %select_n3A_1010 : vector<1x32xi1>, vector<1x32xi32>
      %eq3A_1044 = vector.broadcast %reduce_min3A_1023 : f32 to vector<100x32xf32>
      %eq3A_1045 = arith.cmpf oeq, %select_n3A_1018, %eq3A_1044 : vector<100x32xf32>
      %eq3A_1046 = vector.broadcast %reduce_min3A_1033 : i32 to vector<100x32xi32>
      %eq3A_1047 = arith.cmpi eq, %add3A_816, %eq3A_1046 : vector<100x32xi32>
      %and3A_1048 = arith.andi %eq3A_1045, %eq3A_1047 : vector<100x32xi1>
      %jit3A_1049 = arith.constant 0x7F800000 : f32
      %broadcast_in_dim3A_1050 = vector.broadcast %jit3A_1049 : f32 to vector<100x32xf32>
      %select_n3A_1051 = arith.select %and3A_1048, %broadcast_in_dim3A_1050, %select_n3A_1018 : vector<100x32xi1>, vector<100x32xf32>
      %reduce_min3A_1052 = vector.shape_cast %select_n3A_1051 : vector<100x32xf32> to vector<1x100x32xf32>
      %reduce_min3A_1053 = arith.constant dense<0x7F800000> : vector<1xf32>
      %reduce_min3A_1054 = vector.multi_reduction <minimumf>, %reduce_min3A_1052, %reduce_min3A_1053 [1, 2] : vector<1x100x32xf32> to vector<1xf32>
      %reduce_min3A_1055 = vector.shape_cast %reduce_min3A_1054 : vector<1xf32> to vector<1x1x1xf32>
      %reduce_min3A_1056 = vector.extract %reduce_min3A_1055[0, 0, 0] : f32 from vector<1x1x1xf32>
      %eq3A_1057 = vector.broadcast %reduce_min3A_1056 : f32 to vector<100x32xf32>
      %eq3A_1058 = arith.cmpf oeq, %select_n3A_1051, %eq3A_1057 : vector<100x32xf32>
      %jit3A_1059 = arith.constant 1073741824 : i32
      %broadcast_in_dim3A_1060 = vector.broadcast %jit3A_1059 : i32 to vector<100x32xi32>
      %select_n3A_1061 = arith.select %eq3A_1058, %add3A_816, %broadcast_in_dim3A_1060 : vector<100x32xi1>, vector<100x32xi32>
      %reduce_min3A_1062 = vector.shape_cast %select_n3A_1061 : vector<100x32xi32> to vector<1x100x32xi32>
      %reduce_min3A_1063 = arith.constant dense<2147483647> : vector<1xi32>
      %reduce_min3A_1064 = vector.multi_reduction <minsi>, %reduce_min3A_1062, %reduce_min3A_1063 [1, 2] : vector<1x100x32xi32> to vector<1xi32>
      %reduce_min3A_1065 = vector.shape_cast %reduce_min3A_1064 : vector<1xi32> to vector<1x1x1xi32>
      %reduce_min3A_1066 = vector.extract %reduce_min3A_1065[0, 0, 0] : i32 from vector<1x1x1xi32>
      %eq3A_1067 = arith.constant 7 : i32
      %eq3A_1068 = vector.broadcast %eq3A_1067 : i32 to vector<1x32xi32>
      %eq3A_1069 = arith.cmpi eq, %iota3A_817, %eq3A_1068 : vector<1x32xi32>
      %broadcast_in_dim3A_1070 = vector.broadcast %reduce_min3A_1056 : f32 to vector<1x32xf32>
      %select_n3A_1071 = arith.select %eq3A_1069, %broadcast_in_dim3A_1070, %select_n3A_1038 : vector<1x32xi1>, vector<1x32xf32>
      %eq3A_1072 = arith.constant 7 : i32
      %eq3A_1073 = vector.broadcast %eq3A_1072 : i32 to vector<1x32xi32>
      %eq3A_1074 = arith.cmpi eq, %iota3A_817, %eq3A_1073 : vector<1x32xi32>
      %broadcast_in_dim3A_1075 = vector.broadcast %reduce_min3A_1066 : i32 to vector<1x32xi32>
      %select_n3A_1076 = arith.select %eq3A_1074, %broadcast_in_dim3A_1075, %select_n3A_1043 : vector<1x32xi1>, vector<1x32xi32>
      %eq3A_1077 = vector.broadcast %reduce_min3A_1056 : f32 to vector<100x32xf32>
      %eq3A_1078 = arith.cmpf oeq, %select_n3A_1051, %eq3A_1077 : vector<100x32xf32>
      %eq3A_1079 = vector.broadcast %reduce_min3A_1066 : i32 to vector<100x32xi32>
      %eq3A_1080 = arith.cmpi eq, %add3A_816, %eq3A_1079 : vector<100x32xi32>
      %and3A_1081 = arith.andi %eq3A_1078, %eq3A_1080 : vector<100x32xi1>
      %jit3A_1082 = arith.constant 0x7F800000 : f32
      %broadcast_in_dim3A_1083 = vector.broadcast %jit3A_1082 : f32 to vector<100x32xf32>
      %select_n3A_1084 = arith.select %and3A_1081, %broadcast_in_dim3A_1083, %select_n3A_1051 : vector<100x32xi1>, vector<100x32xf32>
      %reduce_min3A_1085 = vector.shape_cast %select_n3A_1084 : vector<100x32xf32> to vector<1x100x32xf32>
      %reduce_min3A_1086 = arith.constant dense<0x7F800000> : vector<1xf32>
      %reduce_min3A_1087 = vector.multi_reduction <minimumf>, %reduce_min3A_1085, %reduce_min3A_1086 [1, 2] : vector<1x100x32xf32> to vector<1xf32>
      %reduce_min3A_1088 = vector.shape_cast %reduce_min3A_1087 : vector<1xf32> to vector<1x1x1xf32>
      %reduce_min3A_1089 = vector.extract %reduce_min3A_1088[0, 0, 0] : f32 from vector<1x1x1xf32>
      %eq3A_1090 = vector.broadcast %reduce_min3A_1089 : f32 to vector<100x32xf32>
      %eq3A_1091 = arith.cmpf oeq, %select_n3A_1084, %eq3A_1090 : vector<100x32xf32>
      %jit3A_1092 = arith.constant 1073741824 : i32
      %broadcast_in_dim3A_1093 = vector.broadcast %jit3A_1092 : i32 to vector<100x32xi32>
      %select_n3A_1094 = arith.select %eq3A_1091, %add3A_816, %broadcast_in_dim3A_1093 : vector<100x32xi1>, vector<100x32xi32>
      %reduce_min3A_1095 = vector.shape_cast %select_n3A_1094 : vector<100x32xi32> to vector<1x100x32xi32>
      %reduce_min3A_1096 = arith.constant dense<2147483647> : vector<1xi32>
      %reduce_min3A_1097 = vector.multi_reduction <minsi>, %reduce_min3A_1095, %reduce_min3A_1096 [1, 2] : vector<1x100x32xi32> to vector<1xi32>
      %reduce_min3A_1098 = vector.shape_cast %reduce_min3A_1097 : vector<1xi32> to vector<1x1x1xi32>
      %reduce_min3A_1099 = vector.extract %reduce_min3A_1098[0, 0, 0] : i32 from vector<1x1x1xi32>
      %eq3A_1100 = arith.constant 8 : i32
      %eq3A_1101 = vector.broadcast %eq3A_1100 : i32 to vector<1x32xi32>
      %eq3A_1102 = arith.cmpi eq, %iota3A_817, %eq3A_1101 : vector<1x32xi32>
      %broadcast_in_dim3A_1103 = vector.broadcast %reduce_min3A_1089 : f32 to vector<1x32xf32>
      %select_n3A_1104 = arith.select %eq3A_1102, %broadcast_in_dim3A_1103, %select_n3A_1071 : vector<1x32xi1>, vector<1x32xf32>
      %eq3A_1105 = arith.constant 8 : i32
      %eq3A_1106 = vector.broadcast %eq3A_1105 : i32 to vector<1x32xi32>
      %eq3A_1107 = arith.cmpi eq, %iota3A_817, %eq3A_1106 : vector<1x32xi32>
      %broadcast_in_dim3A_1108 = vector.broadcast %reduce_min3A_1099 : i32 to vector<1x32xi32>
      %select_n3A_1109 = arith.select %eq3A_1107, %broadcast_in_dim3A_1108, %select_n3A_1076 : vector<1x32xi1>, vector<1x32xi32>
      %eq3A_1110 = vector.broadcast %reduce_min3A_1089 : f32 to vector<100x32xf32>
      %eq3A_1111 = arith.cmpf oeq, %select_n3A_1084, %eq3A_1110 : vector<100x32xf32>
      %eq3A_1112 = vector.broadcast %reduce_min3A_1099 : i32 to vector<100x32xi32>
      %eq3A_1113 = arith.cmpi eq, %add3A_816, %eq3A_1112 : vector<100x32xi32>
      %and3A_1114 = arith.andi %eq3A_1111, %eq3A_1113 : vector<100x32xi1>
      %jit3A_1115 = arith.constant 0x7F800000 : f32
      %broadcast_in_dim3A_1116 = vector.broadcast %jit3A_1115 : f32 to vector<100x32xf32>
      %select_n3A_1117 = arith.select %and3A_1114, %broadcast_in_dim3A_1116, %select_n3A_1084 : vector<100x32xi1>, vector<100x32xf32>
      %reduce_min3A_1118 = vector.shape_cast %select_n3A_1117 : vector<100x32xf32> to vector<1x100x32xf32>
      %reduce_min3A_1119 = arith.constant dense<0x7F800000> : vector<1xf32>
      %reduce_min3A_1120 = vector.multi_reduction <minimumf>, %reduce_min3A_1118, %reduce_min3A_1119 [1, 2] : vector<1x100x32xf32> to vector<1xf32>
      %reduce_min3A_1121 = vector.shape_cast %reduce_min3A_1120 : vector<1xf32> to vector<1x1x1xf32>
      %reduce_min3A_1122 = vector.extract %reduce_min3A_1121[0, 0, 0] : f32 from vector<1x1x1xf32>
      %eq3A_1123 = vector.broadcast %reduce_min3A_1122 : f32 to vector<100x32xf32>
      %eq3A_1124 = arith.cmpf oeq, %select_n3A_1117, %eq3A_1123 : vector<100x32xf32>
      %jit3A_1125 = arith.constant 1073741824 : i32
      %broadcast_in_dim3A_1126 = vector.broadcast %jit3A_1125 : i32 to vector<100x32xi32>
      %select_n3A_1127 = arith.select %eq3A_1124, %add3A_816, %broadcast_in_dim3A_1126 : vector<100x32xi1>, vector<100x32xi32>
      %reduce_min3A_1128 = vector.shape_cast %select_n3A_1127 : vector<100x32xi32> to vector<1x100x32xi32>
      %reduce_min3A_1129 = arith.constant dense<2147483647> : vector<1xi32>
      %reduce_min3A_1130 = vector.multi_reduction <minsi>, %reduce_min3A_1128, %reduce_min3A_1129 [1, 2] : vector<1x100x32xi32> to vector<1xi32>
      %reduce_min3A_1131 = vector.shape_cast %reduce_min3A_1130 : vector<1xi32> to vector<1x1x1xi32>
      %reduce_min3A_1132 = vector.extract %reduce_min3A_1131[0, 0, 0] : i32 from vector<1x1x1xi32>
      %eq3A_1133 = arith.constant 9 : i32
      %eq3A_1134 = vector.broadcast %eq3A_1133 : i32 to vector<1x32xi32>
      %eq3A_1135 = arith.cmpi eq, %iota3A_817, %eq3A_1134 : vector<1x32xi32>
      %broadcast_in_dim3A_1136 = vector.broadcast %reduce_min3A_1122 : f32 to vector<1x32xf32>
      %select_n3A_1137 = arith.select %eq3A_1135, %broadcast_in_dim3A_1136, %select_n3A_1104 : vector<1x32xi1>, vector<1x32xf32>
      %eq3A_1138 = arith.constant 9 : i32
      %eq3A_1139 = vector.broadcast %eq3A_1138 : i32 to vector<1x32xi32>
      %eq3A_1140 = arith.cmpi eq, %iota3A_817, %eq3A_1139 : vector<1x32xi32>
      %broadcast_in_dim3A_1141 = vector.broadcast %reduce_min3A_1132 : i32 to vector<1x32xi32>
      %select_n3A_1142 = arith.select %eq3A_1140, %broadcast_in_dim3A_1141, %select_n3A_1109 : vector<1x32xi1>, vector<1x32xi32>
      %eq3A_1143 = vector.broadcast %reduce_min3A_1122 : f32 to vector<100x32xf32>
      %eq3A_1144 = arith.cmpf oeq, %select_n3A_1117, %eq3A_1143 : vector<100x32xf32>
      %eq3A_1145 = vector.broadcast %reduce_min3A_1132 : i32 to vector<100x32xi32>
      %eq3A_1146 = arith.cmpi eq, %add3A_816, %eq3A_1145 : vector<100x32xi32>
      %and3A_1147 = arith.andi %eq3A_1144, %eq3A_1146 : vector<100x32xi1>
      %jit3A_1148 = arith.constant 0x7F800000 : f32
      %broadcast_in_dim3A_1149 = vector.broadcast %jit3A_1148 : f32 to vector<100x32xf32>
      %select_n3A_1150 = arith.select %and3A_1147, %broadcast_in_dim3A_1149, %select_n3A_1117 : vector<100x32xi1>, vector<100x32xf32>
      %reduce_min3A_1151 = vector.shape_cast %select_n3A_1150 : vector<100x32xf32> to vector<1x100x32xf32>
      %reduce_min3A_1152 = arith.constant dense<0x7F800000> : vector<1xf32>
      %reduce_min3A_1153 = vector.multi_reduction <minimumf>, %reduce_min3A_1151, %reduce_min3A_1152 [1, 2] : vector<1x100x32xf32> to vector<1xf32>
      %reduce_min3A_1154 = vector.shape_cast %reduce_min3A_1153 : vector<1xf32> to vector<1x1x1xf32>
      %reduce_min3A_1155 = vector.extract %reduce_min3A_1154[0, 0, 0] : f32 from vector<1x1x1xf32>
      %eq3A_1156 = vector.broadcast %reduce_min3A_1155 : f32 to vector<100x32xf32>
      %eq3A_1157 = arith.cmpf oeq, %select_n3A_1150, %eq3A_1156 : vector<100x32xf32>
      %jit3A_1158 = arith.constant 1073741824 : i32
      %broadcast_in_dim3A_1159 = vector.broadcast %jit3A_1158 : i32 to vector<100x32xi32>
      %select_n3A_1160 = arith.select %eq3A_1157, %add3A_816, %broadcast_in_dim3A_1159 : vector<100x32xi1>, vector<100x32xi32>
      %reduce_min3A_1161 = vector.shape_cast %select_n3A_1160 : vector<100x32xi32> to vector<1x100x32xi32>
      %reduce_min3A_1162 = arith.constant dense<2147483647> : vector<1xi32>
      %reduce_min3A_1163 = vector.multi_reduction <minsi>, %reduce_min3A_1161, %reduce_min3A_1162 [1, 2] : vector<1x100x32xi32> to vector<1xi32>
      %reduce_min3A_1164 = vector.shape_cast %reduce_min3A_1163 : vector<1xi32> to vector<1x1x1xi32>
      %reduce_min3A_1165 = vector.extract %reduce_min3A_1164[0, 0, 0] : i32 from vector<1x1x1xi32>
      %eq3A_1166 = arith.constant 10 : i32
      %eq3A_1167 = vector.broadcast %eq3A_1166 : i32 to vector<1x32xi32>
      %eq3A_1168 = arith.cmpi eq, %iota3A_817, %eq3A_1167 : vector<1x32xi32>
      %broadcast_in_dim3A_1169 = vector.broadcast %reduce_min3A_1155 : f32 to vector<1x32xf32>
      %select_n3A_1170 = arith.select %eq3A_1168, %broadcast_in_dim3A_1169, %select_n3A_1137 : vector<1x32xi1>, vector<1x32xf32>
      %eq3A_1171 = arith.constant 10 : i32
      %eq3A_1172 = vector.broadcast %eq3A_1171 : i32 to vector<1x32xi32>
      %eq3A_1173 = arith.cmpi eq, %iota3A_817, %eq3A_1172 : vector<1x32xi32>
      %broadcast_in_dim3A_1174 = vector.broadcast %reduce_min3A_1165 : i32 to vector<1x32xi32>
      %select_n3A_1175 = arith.select %eq3A_1173, %broadcast_in_dim3A_1174, %select_n3A_1142 : vector<1x32xi1>, vector<1x32xi32>
      %eq3A_1176 = vector.broadcast %reduce_min3A_1155 : f32 to vector<100x32xf32>
      %eq3A_1177 = arith.cmpf oeq, %select_n3A_1150, %eq3A_1176 : vector<100x32xf32>
      %eq3A_1178 = vector.broadcast %reduce_min3A_1165 : i32 to vector<100x32xi32>
      %eq3A_1179 = arith.cmpi eq, %add3A_816, %eq3A_1178 : vector<100x32xi32>
      %and3A_1180 = arith.andi %eq3A_1177, %eq3A_1179 : vector<100x32xi1>
      %jit3A_1181 = arith.constant 0x7F800000 : f32
      %broadcast_in_dim3A_1182 = vector.broadcast %jit3A_1181 : f32 to vector<100x32xf32>
      %select_n3A_1183 = arith.select %and3A_1180, %broadcast_in_dim3A_1182, %select_n3A_1150 : vector<100x32xi1>, vector<100x32xf32>
      %reduce_min3A_1184 = vector.shape_cast %select_n3A_1183 : vector<100x32xf32> to vector<1x100x32xf32>
      %reduce_min3A_1185 = arith.constant dense<0x7F800000> : vector<1xf32>
      %reduce_min3A_1186 = vector.multi_reduction <minimumf>, %reduce_min3A_1184, %reduce_min3A_1185 [1, 2] : vector<1x100x32xf32> to vector<1xf32>
      %reduce_min3A_1187 = vector.shape_cast %reduce_min3A_1186 : vector<1xf32> to vector<1x1x1xf32>
      %reduce_min3A_1188 = vector.extract %reduce_min3A_1187[0, 0, 0] : f32 from vector<1x1x1xf32>
      %eq3A_1189 = vector.broadcast %reduce_min3A_1188 : f32 to vector<100x32xf32>
      %eq3A_1190 = arith.cmpf oeq, %select_n3A_1183, %eq3A_1189 : vector<100x32xf32>
      %jit3A_1191 = arith.constant 1073741824 : i32
      %broadcast_in_dim3A_1192 = vector.broadcast %jit3A_1191 : i32 to vector<100x32xi32>
      %select_n3A_1193 = arith.select %eq3A_1190, %add3A_816, %broadcast_in_dim3A_1192 : vector<100x32xi1>, vector<100x32xi32>
      %reduce_min3A_1194 = vector.shape_cast %select_n3A_1193 : vector<100x32xi32> to vector<1x100x32xi32>
      %reduce_min3A_1195 = arith.constant dense<2147483647> : vector<1xi32>
      %reduce_min3A_1196 = vector.multi_reduction <minsi>, %reduce_min3A_1194, %reduce_min3A_1195 [1, 2] : vector<1x100x32xi32> to vector<1xi32>
      %reduce_min3A_1197 = vector.shape_cast %reduce_min3A_1196 : vector<1xi32> to vector<1x1x1xi32>
      %reduce_min3A_1198 = vector.extract %reduce_min3A_1197[0, 0, 0] : i32 from vector<1x1x1xi32>
      %eq3A_1199 = arith.constant 11 : i32
      %eq3A_1200 = vector.broadcast %eq3A_1199 : i32 to vector<1x32xi32>
      %eq3A_1201 = arith.cmpi eq, %iota3A_817, %eq3A_1200 : vector<1x32xi32>
      %broadcast_in_dim3A_1202 = vector.broadcast %reduce_min3A_1188 : f32 to vector<1x32xf32>
      %select_n3A_1203 = arith.select %eq3A_1201, %broadcast_in_dim3A_1202, %select_n3A_1170 : vector<1x32xi1>, vector<1x32xf32>
      %eq3A_1204 = arith.constant 11 : i32
      %eq3A_1205 = vector.broadcast %eq3A_1204 : i32 to vector<1x32xi32>
      %eq3A_1206 = arith.cmpi eq, %iota3A_817, %eq3A_1205 : vector<1x32xi32>
      %broadcast_in_dim3A_1207 = vector.broadcast %reduce_min3A_1198 : i32 to vector<1x32xi32>
      %select_n3A_1208 = arith.select %eq3A_1206, %broadcast_in_dim3A_1207, %select_n3A_1175 : vector<1x32xi1>, vector<1x32xi32>
      %eq3A_1209 = vector.broadcast %reduce_min3A_1188 : f32 to vector<100x32xf32>
      %eq3A_1210 = arith.cmpf oeq, %select_n3A_1183, %eq3A_1209 : vector<100x32xf32>
      %eq3A_1211 = vector.broadcast %reduce_min3A_1198 : i32 to vector<100x32xi32>
      %eq3A_1212 = arith.cmpi eq, %add3A_816, %eq3A_1211 : vector<100x32xi32>
      %and3A_1213 = arith.andi %eq3A_1210, %eq3A_1212 : vector<100x32xi1>
      %jit3A_1214 = arith.constant 0x7F800000 : f32
      %broadcast_in_dim3A_1215 = vector.broadcast %jit3A_1214 : f32 to vector<100x32xf32>
      %select_n3A_1216 = arith.select %and3A_1213, %broadcast_in_dim3A_1215, %select_n3A_1183 : vector<100x32xi1>, vector<100x32xf32>
      %reduce_min3A_1217 = vector.shape_cast %select_n3A_1216 : vector<100x32xf32> to vector<1x100x32xf32>
      %reduce_min3A_1218 = arith.constant dense<0x7F800000> : vector<1xf32>
      %reduce_min3A_1219 = vector.multi_reduction <minimumf>, %reduce_min3A_1217, %reduce_min3A_1218 [1, 2] : vector<1x100x32xf32> to vector<1xf32>
      %reduce_min3A_1220 = vector.shape_cast %reduce_min3A_1219 : vector<1xf32> to vector<1x1x1xf32>
      %reduce_min3A_1221 = vector.extract %reduce_min3A_1220[0, 0, 0] : f32 from vector<1x1x1xf32>
      %eq3A_1222 = vector.broadcast %reduce_min3A_1221 : f32 to vector<100x32xf32>
      %eq3A_1223 = arith.cmpf oeq, %select_n3A_1216, %eq3A_1222 : vector<100x32xf32>
      %jit3A_1224 = arith.constant 1073741824 : i32
      %broadcast_in_dim3A_1225 = vector.broadcast %jit3A_1224 : i32 to vector<100x32xi32>
      %select_n3A_1226 = arith.select %eq3A_1223, %add3A_816, %broadcast_in_dim3A_1225 : vector<100x32xi1>, vector<100x32xi32>
      %reduce_min3A_1227 = vector.shape_cast %select_n3A_1226 : vector<100x32xi32> to vector<1x100x32xi32>
      %reduce_min3A_1228 = arith.constant dense<2147483647> : vector<1xi32>
      %reduce_min3A_1229 = vector.multi_reduction <minsi>, %reduce_min3A_1227, %reduce_min3A_1228 [1, 2] : vector<1x100x32xi32> to vector<1xi32>
      %reduce_min3A_1230 = vector.shape_cast %reduce_min3A_1229 : vector<1xi32> to vector<1x1x1xi32>
      %reduce_min3A_1231 = vector.extract %reduce_min3A_1230[0, 0, 0] : i32 from vector<1x1x1xi32>
      %eq3A_1232 = arith.constant 12 : i32
      %eq3A_1233 = vector.broadcast %eq3A_1232 : i32 to vector<1x32xi32>
      %eq3A_1234 = arith.cmpi eq, %iota3A_817, %eq3A_1233 : vector<1x32xi32>
      %broadcast_in_dim3A_1235 = vector.broadcast %reduce_min3A_1221 : f32 to vector<1x32xf32>
      %select_n3A_1236 = arith.select %eq3A_1234, %broadcast_in_dim3A_1235, %select_n3A_1203 : vector<1x32xi1>, vector<1x32xf32>
      %eq3A_1237 = arith.constant 12 : i32
      %eq3A_1238 = vector.broadcast %eq3A_1237 : i32 to vector<1x32xi32>
      %eq3A_1239 = arith.cmpi eq, %iota3A_817, %eq3A_1238 : vector<1x32xi32>
      %broadcast_in_dim3A_1240 = vector.broadcast %reduce_min3A_1231 : i32 to vector<1x32xi32>
      %select_n3A_1241 = arith.select %eq3A_1239, %broadcast_in_dim3A_1240, %select_n3A_1208 : vector<1x32xi1>, vector<1x32xi32>
      %eq3A_1242 = vector.broadcast %reduce_min3A_1221 : f32 to vector<100x32xf32>
      %eq3A_1243 = arith.cmpf oeq, %select_n3A_1216, %eq3A_1242 : vector<100x32xf32>
      %eq3A_1244 = vector.broadcast %reduce_min3A_1231 : i32 to vector<100x32xi32>
      %eq3A_1245 = arith.cmpi eq, %add3A_816, %eq3A_1244 : vector<100x32xi32>
      %and3A_1246 = arith.andi %eq3A_1243, %eq3A_1245 : vector<100x32xi1>
      %jit3A_1247 = arith.constant 0x7F800000 : f32
      %broadcast_in_dim3A_1248 = vector.broadcast %jit3A_1247 : f32 to vector<100x32xf32>
      %select_n3A_1249 = arith.select %and3A_1246, %broadcast_in_dim3A_1248, %select_n3A_1216 : vector<100x32xi1>, vector<100x32xf32>
      %reduce_min3A_1250 = vector.shape_cast %select_n3A_1249 : vector<100x32xf32> to vector<1x100x32xf32>
      %reduce_min3A_1251 = arith.constant dense<0x7F800000> : vector<1xf32>
      %reduce_min3A_1252 = vector.multi_reduction <minimumf>, %reduce_min3A_1250, %reduce_min3A_1251 [1, 2] : vector<1x100x32xf32> to vector<1xf32>
      %reduce_min3A_1253 = vector.shape_cast %reduce_min3A_1252 : vector<1xf32> to vector<1x1x1xf32>
      %reduce_min3A_1254 = vector.extract %reduce_min3A_1253[0, 0, 0] : f32 from vector<1x1x1xf32>
      %eq3A_1255 = vector.broadcast %reduce_min3A_1254 : f32 to vector<100x32xf32>
      %eq3A_1256 = arith.cmpf oeq, %select_n3A_1249, %eq3A_1255 : vector<100x32xf32>
      %jit3A_1257 = arith.constant 1073741824 : i32
      %broadcast_in_dim3A_1258 = vector.broadcast %jit3A_1257 : i32 to vector<100x32xi32>
      %select_n3A_1259 = arith.select %eq3A_1256, %add3A_816, %broadcast_in_dim3A_1258 : vector<100x32xi1>, vector<100x32xi32>
      %reduce_min3A_1260 = vector.shape_cast %select_n3A_1259 : vector<100x32xi32> to vector<1x100x32xi32>
      %reduce_min3A_1261 = arith.constant dense<2147483647> : vector<1xi32>
      %reduce_min3A_1262 = vector.multi_reduction <minsi>, %reduce_min3A_1260, %reduce_min3A_1261 [1, 2] : vector<1x100x32xi32> to vector<1xi32>
      %reduce_min3A_1263 = vector.shape_cast %reduce_min3A_1262 : vector<1xi32> to vector<1x1x1xi32>
      %reduce_min3A_1264 = vector.extract %reduce_min3A_1263[0, 0, 0] : i32 from vector<1x1x1xi32>
      %eq3A_1265 = arith.constant 13 : i32
      %eq3A_1266 = vector.broadcast %eq3A_1265 : i32 to vector<1x32xi32>
      %eq3A_1267 = arith.cmpi eq, %iota3A_817, %eq3A_1266 : vector<1x32xi32>
      %broadcast_in_dim3A_1268 = vector.broadcast %reduce_min3A_1254 : f32 to vector<1x32xf32>
      %select_n3A_1269 = arith.select %eq3A_1267, %broadcast_in_dim3A_1268, %select_n3A_1236 : vector<1x32xi1>, vector<1x32xf32>
      %eq3A_1270 = arith.constant 13 : i32
      %eq3A_1271 = vector.broadcast %eq3A_1270 : i32 to vector<1x32xi32>
      %eq3A_1272 = arith.cmpi eq, %iota3A_817, %eq3A_1271 : vector<1x32xi32>
      %broadcast_in_dim3A_1273 = vector.broadcast %reduce_min3A_1264 : i32 to vector<1x32xi32>
      %select_n3A_1274 = arith.select %eq3A_1272, %broadcast_in_dim3A_1273, %select_n3A_1241 : vector<1x32xi1>, vector<1x32xi32>
      %eq3A_1275 = vector.broadcast %reduce_min3A_1254 : f32 to vector<100x32xf32>
      %eq3A_1276 = arith.cmpf oeq, %select_n3A_1249, %eq3A_1275 : vector<100x32xf32>
      %eq3A_1277 = vector.broadcast %reduce_min3A_1264 : i32 to vector<100x32xi32>
      %eq3A_1278 = arith.cmpi eq, %add3A_816, %eq3A_1277 : vector<100x32xi32>
      %and3A_1279 = arith.andi %eq3A_1276, %eq3A_1278 : vector<100x32xi1>
      %jit3A_1280 = arith.constant 0x7F800000 : f32
      %broadcast_in_dim3A_1281 = vector.broadcast %jit3A_1280 : f32 to vector<100x32xf32>
      %select_n3A_1282 = arith.select %and3A_1279, %broadcast_in_dim3A_1281, %select_n3A_1249 : vector<100x32xi1>, vector<100x32xf32>
      %reduce_min3A_1283 = vector.shape_cast %select_n3A_1282 : vector<100x32xf32> to vector<1x100x32xf32>
      %reduce_min3A_1284 = arith.constant dense<0x7F800000> : vector<1xf32>
      %reduce_min3A_1285 = vector.multi_reduction <minimumf>, %reduce_min3A_1283, %reduce_min3A_1284 [1, 2] : vector<1x100x32xf32> to vector<1xf32>
      %reduce_min3A_1286 = vector.shape_cast %reduce_min3A_1285 : vector<1xf32> to vector<1x1x1xf32>
      %reduce_min3A_1287 = vector.extract %reduce_min3A_1286[0, 0, 0] : f32 from vector<1x1x1xf32>
      %eq3A_1288 = vector.broadcast %reduce_min3A_1287 : f32 to vector<100x32xf32>
      %eq3A_1289 = arith.cmpf oeq, %select_n3A_1282, %eq3A_1288 : vector<100x32xf32>
      %jit3A_1290 = arith.constant 1073741824 : i32
      %broadcast_in_dim3A_1291 = vector.broadcast %jit3A_1290 : i32 to vector<100x32xi32>
      %select_n3A_1292 = arith.select %eq3A_1289, %add3A_816, %broadcast_in_dim3A_1291 : vector<100x32xi1>, vector<100x32xi32>
      %reduce_min3A_1293 = vector.shape_cast %select_n3A_1292 : vector<100x32xi32> to vector<1x100x32xi32>
      %reduce_min3A_1294 = arith.constant dense<2147483647> : vector<1xi32>
      %reduce_min3A_1295 = vector.multi_reduction <minsi>, %reduce_min3A_1293, %reduce_min3A_1294 [1, 2] : vector<1x100x32xi32> to vector<1xi32>
      %reduce_min3A_1296 = vector.shape_cast %reduce_min3A_1295 : vector<1xi32> to vector<1x1x1xi32>
      %reduce_min3A_1297 = vector.extract %reduce_min3A_1296[0, 0, 0] : i32 from vector<1x1x1xi32>
      %eq3A_1298 = arith.constant 14 : i32
      %eq3A_1299 = vector.broadcast %eq3A_1298 : i32 to vector<1x32xi32>
      %eq3A_1300 = arith.cmpi eq, %iota3A_817, %eq3A_1299 : vector<1x32xi32>
      %broadcast_in_dim3A_1301 = vector.broadcast %reduce_min3A_1287 : f32 to vector<1x32xf32>
      %select_n3A_1302 = arith.select %eq3A_1300, %broadcast_in_dim3A_1301, %select_n3A_1269 : vector<1x32xi1>, vector<1x32xf32>
      %eq3A_1303 = arith.constant 14 : i32
      %eq3A_1304 = vector.broadcast %eq3A_1303 : i32 to vector<1x32xi32>
      %eq3A_1305 = arith.cmpi eq, %iota3A_817, %eq3A_1304 : vector<1x32xi32>
      %broadcast_in_dim3A_1306 = vector.broadcast %reduce_min3A_1297 : i32 to vector<1x32xi32>
      %select_n3A_1307 = arith.select %eq3A_1305, %broadcast_in_dim3A_1306, %select_n3A_1274 : vector<1x32xi1>, vector<1x32xi32>
      %eq3A_1308 = vector.broadcast %reduce_min3A_1287 : f32 to vector<100x32xf32>
      %eq3A_1309 = arith.cmpf oeq, %select_n3A_1282, %eq3A_1308 : vector<100x32xf32>
      %eq3A_1310 = vector.broadcast %reduce_min3A_1297 : i32 to vector<100x32xi32>
      %eq3A_1311 = arith.cmpi eq, %add3A_816, %eq3A_1310 : vector<100x32xi32>
      %and3A_1312 = arith.andi %eq3A_1309, %eq3A_1311 : vector<100x32xi1>
      %jit3A_1313 = arith.constant 0x7F800000 : f32
      %broadcast_in_dim3A_1314 = vector.broadcast %jit3A_1313 : f32 to vector<100x32xf32>
      %select_n3A_1315 = arith.select %and3A_1312, %broadcast_in_dim3A_1314, %select_n3A_1282 : vector<100x32xi1>, vector<100x32xf32>
      %reduce_min3A_1316 = vector.shape_cast %select_n3A_1315 : vector<100x32xf32> to vector<1x100x32xf32>
      %reduce_min3A_1317 = arith.constant dense<0x7F800000> : vector<1xf32>
      %reduce_min3A_1318 = vector.multi_reduction <minimumf>, %reduce_min3A_1316, %reduce_min3A_1317 [1, 2] : vector<1x100x32xf32> to vector<1xf32>
      %reduce_min3A_1319 = vector.shape_cast %reduce_min3A_1318 : vector<1xf32> to vector<1x1x1xf32>
      %reduce_min3A_1320 = vector.extract %reduce_min3A_1319[0, 0, 0] : f32 from vector<1x1x1xf32>
      %eq3A_1321 = vector.broadcast %reduce_min3A_1320 : f32 to vector<100x32xf32>
      %eq3A_1322 = arith.cmpf oeq, %select_n3A_1315, %eq3A_1321 : vector<100x32xf32>
      %jit3A_1323 = arith.constant 1073741824 : i32
      %broadcast_in_dim3A_1324 = vector.broadcast %jit3A_1323 : i32 to vector<100x32xi32>
      %select_n3A_1325 = arith.select %eq3A_1322, %add3A_816, %broadcast_in_dim3A_1324 : vector<100x32xi1>, vector<100x32xi32>
      %reduce_min3A_1326 = vector.shape_cast %select_n3A_1325 : vector<100x32xi32> to vector<1x100x32xi32>
      %reduce_min3A_1327 = arith.constant dense<2147483647> : vector<1xi32>
      %reduce_min3A_1328 = vector.multi_reduction <minsi>, %reduce_min3A_1326, %reduce_min3A_1327 [1, 2] : vector<1x100x32xi32> to vector<1xi32>
      %reduce_min3A_1329 = vector.shape_cast %reduce_min3A_1328 : vector<1xi32> to vector<1x1x1xi32>
      %reduce_min3A_1330 = vector.extract %reduce_min3A_1329[0, 0, 0] : i32 from vector<1x1x1xi32>
      %eq3A_1331 = arith.constant 15 : i32
      %eq3A_1332 = vector.broadcast %eq3A_1331 : i32 to vector<1x32xi32>
      %eq3A_1333 = arith.cmpi eq, %iota3A_817, %eq3A_1332 : vector<1x32xi32>
      %broadcast_in_dim3A_1334 = vector.broadcast %reduce_min3A_1320 : f32 to vector<1x32xf32>
      %select_n3A_1335 = arith.select %eq3A_1333, %broadcast_in_dim3A_1334, %select_n3A_1302 : vector<1x32xi1>, vector<1x32xf32>
      %eq3A_1336 = arith.constant 15 : i32
      %eq3A_1337 = vector.broadcast %eq3A_1336 : i32 to vector<1x32xi32>
      %eq3A_1338 = arith.cmpi eq, %iota3A_817, %eq3A_1337 : vector<1x32xi32>
      %broadcast_in_dim3A_1339 = vector.broadcast %reduce_min3A_1330 : i32 to vector<1x32xi32>
      %select_n3A_1340 = arith.select %eq3A_1338, %broadcast_in_dim3A_1339, %select_n3A_1307 : vector<1x32xi1>, vector<1x32xi32>
      %eq3A_1341 = vector.broadcast %reduce_min3A_1320 : f32 to vector<100x32xf32>
      %eq3A_1342 = arith.cmpf oeq, %select_n3A_1315, %eq3A_1341 : vector<100x32xf32>
      %eq3A_1343 = vector.broadcast %reduce_min3A_1330 : i32 to vector<100x32xi32>
      %eq3A_1344 = arith.cmpi eq, %add3A_816, %eq3A_1343 : vector<100x32xi32>
      %and3A_1345 = arith.andi %eq3A_1342, %eq3A_1344 : vector<100x32xi1>
      %jit3A_1346 = arith.constant 0x7F800000 : f32
      %broadcast_in_dim3A_1347 = vector.broadcast %jit3A_1346 : f32 to vector<100x32xf32>
      %select_n3A_1348 = arith.select %and3A_1345, %broadcast_in_dim3A_1347, %select_n3A_1315 : vector<100x32xi1>, vector<100x32xf32>
      %reduce_min3A_1349 = vector.shape_cast %select_n3A_1348 : vector<100x32xf32> to vector<1x100x32xf32>
      %reduce_min3A_1350 = arith.constant dense<0x7F800000> : vector<1xf32>
      %reduce_min3A_1351 = vector.multi_reduction <minimumf>, %reduce_min3A_1349, %reduce_min3A_1350 [1, 2] : vector<1x100x32xf32> to vector<1xf32>
      %reduce_min3A_1352 = vector.shape_cast %reduce_min3A_1351 : vector<1xf32> to vector<1x1x1xf32>
      %reduce_min3A_1353 = vector.extract %reduce_min3A_1352[0, 0, 0] : f32 from vector<1x1x1xf32>
      %eq3A_1354 = vector.broadcast %reduce_min3A_1353 : f32 to vector<100x32xf32>
      %eq3A_1355 = arith.cmpf oeq, %select_n3A_1348, %eq3A_1354 : vector<100x32xf32>
      %jit3A_1356 = arith.constant 1073741824 : i32
      %broadcast_in_dim3A_1357 = vector.broadcast %jit3A_1356 : i32 to vector<100x32xi32>
      %select_n3A_1358 = arith.select %eq3A_1355, %add3A_816, %broadcast_in_dim3A_1357 : vector<100x32xi1>, vector<100x32xi32>
      %reduce_min3A_1359 = vector.shape_cast %select_n3A_1358 : vector<100x32xi32> to vector<1x100x32xi32>
      %reduce_min3A_1360 = arith.constant dense<2147483647> : vector<1xi32>
      %reduce_min3A_1361 = vector.multi_reduction <minsi>, %reduce_min3A_1359, %reduce_min3A_1360 [1, 2] : vector<1x100x32xi32> to vector<1xi32>
      %reduce_min3A_1362 = vector.shape_cast %reduce_min3A_1361 : vector<1xi32> to vector<1x1x1xi32>
      %reduce_min3A_1363 = vector.extract %reduce_min3A_1362[0, 0, 0] : i32 from vector<1x1x1xi32>
      %eq3A_1364 = arith.constant 16 : i32
      %eq3A_1365 = vector.broadcast %eq3A_1364 : i32 to vector<1x32xi32>
      %eq3A_1366 = arith.cmpi eq, %iota3A_817, %eq3A_1365 : vector<1x32xi32>
      %broadcast_in_dim3A_1367 = vector.broadcast %reduce_min3A_1353 : f32 to vector<1x32xf32>
      %select_n3A_1368 = arith.select %eq3A_1366, %broadcast_in_dim3A_1367, %select_n3A_1335 : vector<1x32xi1>, vector<1x32xf32>
      %eq3A_1369 = arith.constant 16 : i32
      %eq3A_1370 = vector.broadcast %eq3A_1369 : i32 to vector<1x32xi32>
      %eq3A_1371 = arith.cmpi eq, %iota3A_817, %eq3A_1370 : vector<1x32xi32>
      %broadcast_in_dim3A_1372 = vector.broadcast %reduce_min3A_1363 : i32 to vector<1x32xi32>
      %select_n3A_1373 = arith.select %eq3A_1371, %broadcast_in_dim3A_1372, %select_n3A_1340 : vector<1x32xi1>, vector<1x32xi32>
      %eq3A_1374 = vector.broadcast %reduce_min3A_1353 : f32 to vector<100x32xf32>
      %eq3A_1375 = arith.cmpf oeq, %select_n3A_1348, %eq3A_1374 : vector<100x32xf32>
      %eq3A_1376 = vector.broadcast %reduce_min3A_1363 : i32 to vector<100x32xi32>
      %eq3A_1377 = arith.cmpi eq, %add3A_816, %eq3A_1376 : vector<100x32xi32>
      %and3A_1378 = arith.andi %eq3A_1375, %eq3A_1377 : vector<100x32xi1>
      %jit3A_1379 = arith.constant 0x7F800000 : f32
      %broadcast_in_dim3A_1380 = vector.broadcast %jit3A_1379 : f32 to vector<100x32xf32>
      %select_n3A_1381 = arith.select %and3A_1378, %broadcast_in_dim3A_1380, %select_n3A_1348 : vector<100x32xi1>, vector<100x32xf32>
      %reduce_min3A_1382 = vector.shape_cast %select_n3A_1381 : vector<100x32xf32> to vector<1x100x32xf32>
      %reduce_min3A_1383 = arith.constant dense<0x7F800000> : vector<1xf32>
      %reduce_min3A_1384 = vector.multi_reduction <minimumf>, %reduce_min3A_1382, %reduce_min3A_1383 [1, 2] : vector<1x100x32xf32> to vector<1xf32>
      %reduce_min3A_1385 = vector.shape_cast %reduce_min3A_1384 : vector<1xf32> to vector<1x1x1xf32>
      %reduce_min3A_1386 = vector.extract %reduce_min3A_1385[0, 0, 0] : f32 from vector<1x1x1xf32>
      %eq3A_1387 = vector.broadcast %reduce_min3A_1386 : f32 to vector<100x32xf32>
      %eq3A_1388 = arith.cmpf oeq, %select_n3A_1381, %eq3A_1387 : vector<100x32xf32>
      %jit3A_1389 = arith.constant 1073741824 : i32
      %broadcast_in_dim3A_1390 = vector.broadcast %jit3A_1389 : i32 to vector<100x32xi32>
      %select_n3A_1391 = arith.select %eq3A_1388, %add3A_816, %broadcast_in_dim3A_1390 : vector<100x32xi1>, vector<100x32xi32>
      %reduce_min3A_1392 = vector.shape_cast %select_n3A_1391 : vector<100x32xi32> to vector<1x100x32xi32>
      %reduce_min3A_1393 = arith.constant dense<2147483647> : vector<1xi32>
      %reduce_min3A_1394 = vector.multi_reduction <minsi>, %reduce_min3A_1392, %reduce_min3A_1393 [1, 2] : vector<1x100x32xi32> to vector<1xi32>
      %reduce_min3A_1395 = vector.shape_cast %reduce_min3A_1394 : vector<1xi32> to vector<1x1x1xi32>
      %reduce_min3A_1396 = vector.extract %reduce_min3A_1395[0, 0, 0] : i32 from vector<1x1x1xi32>
      %eq3A_1397 = arith.constant 17 : i32
      %eq3A_1398 = vector.broadcast %eq3A_1397 : i32 to vector<1x32xi32>
      %eq3A_1399 = arith.cmpi eq, %iota3A_817, %eq3A_1398 : vector<1x32xi32>
      %broadcast_in_dim3A_1400 = vector.broadcast %reduce_min3A_1386 : f32 to vector<1x32xf32>
      %select_n3A_1401 = arith.select %eq3A_1399, %broadcast_in_dim3A_1400, %select_n3A_1368 : vector<1x32xi1>, vector<1x32xf32>
      %eq3A_1402 = arith.constant 17 : i32
      %eq3A_1403 = vector.broadcast %eq3A_1402 : i32 to vector<1x32xi32>
      %eq3A_1404 = arith.cmpi eq, %iota3A_817, %eq3A_1403 : vector<1x32xi32>
      %broadcast_in_dim3A_1405 = vector.broadcast %reduce_min3A_1396 : i32 to vector<1x32xi32>
      %select_n3A_1406 = arith.select %eq3A_1404, %broadcast_in_dim3A_1405, %select_n3A_1373 : vector<1x32xi1>, vector<1x32xi32>
      %eq3A_1407 = vector.broadcast %reduce_min3A_1386 : f32 to vector<100x32xf32>
      %eq3A_1408 = arith.cmpf oeq, %select_n3A_1381, %eq3A_1407 : vector<100x32xf32>
      %eq3A_1409 = vector.broadcast %reduce_min3A_1396 : i32 to vector<100x32xi32>
      %eq3A_1410 = arith.cmpi eq, %add3A_816, %eq3A_1409 : vector<100x32xi32>
      %and3A_1411 = arith.andi %eq3A_1408, %eq3A_1410 : vector<100x32xi1>
      %jit3A_1412 = arith.constant 0x7F800000 : f32
      %broadcast_in_dim3A_1413 = vector.broadcast %jit3A_1412 : f32 to vector<100x32xf32>
      %select_n3A_1414 = arith.select %and3A_1411, %broadcast_in_dim3A_1413, %select_n3A_1381 : vector<100x32xi1>, vector<100x32xf32>
      %reduce_min3A_1415 = vector.shape_cast %select_n3A_1414 : vector<100x32xf32> to vector<1x100x32xf32>
      %reduce_min3A_1416 = arith.constant dense<0x7F800000> : vector<1xf32>
      %reduce_min3A_1417 = vector.multi_reduction <minimumf>, %reduce_min3A_1415, %reduce_min3A_1416 [1, 2] : vector<1x100x32xf32> to vector<1xf32>
      %reduce_min3A_1418 = vector.shape_cast %reduce_min3A_1417 : vector<1xf32> to vector<1x1x1xf32>
      %reduce_min3A_1419 = vector.extract %reduce_min3A_1418[0, 0, 0] : f32 from vector<1x1x1xf32>
      %eq3A_1420 = vector.broadcast %reduce_min3A_1419 : f32 to vector<100x32xf32>
      %eq3A_1421 = arith.cmpf oeq, %select_n3A_1414, %eq3A_1420 : vector<100x32xf32>
      %jit3A_1422 = arith.constant 1073741824 : i32
      %broadcast_in_dim3A_1423 = vector.broadcast %jit3A_1422 : i32 to vector<100x32xi32>
      %select_n3A_1424 = arith.select %eq3A_1421, %add3A_816, %broadcast_in_dim3A_1423 : vector<100x32xi1>, vector<100x32xi32>
      %reduce_min3A_1425 = vector.shape_cast %select_n3A_1424 : vector<100x32xi32> to vector<1x100x32xi32>
      %reduce_min3A_1426 = arith.constant dense<2147483647> : vector<1xi32>
      %reduce_min3A_1427 = vector.multi_reduction <minsi>, %reduce_min3A_1425, %reduce_min3A_1426 [1, 2] : vector<1x100x32xi32> to vector<1xi32>
      %reduce_min3A_1428 = vector.shape_cast %reduce_min3A_1427 : vector<1xi32> to vector<1x1x1xi32>
      %reduce_min3A_1429 = vector.extract %reduce_min3A_1428[0, 0, 0] : i32 from vector<1x1x1xi32>
      %eq3A_1430 = arith.constant 18 : i32
      %eq3A_1431 = vector.broadcast %eq3A_1430 : i32 to vector<1x32xi32>
      %eq3A_1432 = arith.cmpi eq, %iota3A_817, %eq3A_1431 : vector<1x32xi32>
      %broadcast_in_dim3A_1433 = vector.broadcast %reduce_min3A_1419 : f32 to vector<1x32xf32>
      %select_n3A_1434 = arith.select %eq3A_1432, %broadcast_in_dim3A_1433, %select_n3A_1401 : vector<1x32xi1>, vector<1x32xf32>
      %eq3A_1435 = arith.constant 18 : i32
      %eq3A_1436 = vector.broadcast %eq3A_1435 : i32 to vector<1x32xi32>
      %eq3A_1437 = arith.cmpi eq, %iota3A_817, %eq3A_1436 : vector<1x32xi32>
      %broadcast_in_dim3A_1438 = vector.broadcast %reduce_min3A_1429 : i32 to vector<1x32xi32>
      %select_n3A_1439 = arith.select %eq3A_1437, %broadcast_in_dim3A_1438, %select_n3A_1406 : vector<1x32xi1>, vector<1x32xi32>
      %eq3A_1440 = vector.broadcast %reduce_min3A_1419 : f32 to vector<100x32xf32>
      %eq3A_1441 = arith.cmpf oeq, %select_n3A_1414, %eq3A_1440 : vector<100x32xf32>
      %eq3A_1442 = vector.broadcast %reduce_min3A_1429 : i32 to vector<100x32xi32>
      %eq3A_1443 = arith.cmpi eq, %add3A_816, %eq3A_1442 : vector<100x32xi32>
      %and3A_1444 = arith.andi %eq3A_1441, %eq3A_1443 : vector<100x32xi1>
      %jit3A_1445 = arith.constant 0x7F800000 : f32
      %broadcast_in_dim3A_1446 = vector.broadcast %jit3A_1445 : f32 to vector<100x32xf32>
      %select_n3A_1447 = arith.select %and3A_1444, %broadcast_in_dim3A_1446, %select_n3A_1414 : vector<100x32xi1>, vector<100x32xf32>
      %reduce_min3A_1448 = vector.shape_cast %select_n3A_1447 : vector<100x32xf32> to vector<1x100x32xf32>
      %reduce_min3A_1449 = arith.constant dense<0x7F800000> : vector<1xf32>
      %reduce_min3A_1450 = vector.multi_reduction <minimumf>, %reduce_min3A_1448, %reduce_min3A_1449 [1, 2] : vector<1x100x32xf32> to vector<1xf32>
      %reduce_min3A_1451 = vector.shape_cast %reduce_min3A_1450 : vector<1xf32> to vector<1x1x1xf32>
      %reduce_min3A_1452 = vector.extract %reduce_min3A_1451[0, 0, 0] : f32 from vector<1x1x1xf32>
      %eq3A_1453 = vector.broadcast %reduce_min3A_1452 : f32 to vector<100x32xf32>
      %eq3A_1454 = arith.cmpf oeq, %select_n3A_1447, %eq3A_1453 : vector<100x32xf32>
      %jit3A_1455 = arith.constant 1073741824 : i32
      %broadcast_in_dim3A_1456 = vector.broadcast %jit3A_1455 : i32 to vector<100x32xi32>
      %select_n3A_1457 = arith.select %eq3A_1454, %add3A_816, %broadcast_in_dim3A_1456 : vector<100x32xi1>, vector<100x32xi32>
      %reduce_min3A_1458 = vector.shape_cast %select_n3A_1457 : vector<100x32xi32> to vector<1x100x32xi32>
      %reduce_min3A_1459 = arith.constant dense<2147483647> : vector<1xi32>
      %reduce_min3A_1460 = vector.multi_reduction <minsi>, %reduce_min3A_1458, %reduce_min3A_1459 [1, 2] : vector<1x100x32xi32> to vector<1xi32>
      %reduce_min3A_1461 = vector.shape_cast %reduce_min3A_1460 : vector<1xi32> to vector<1x1x1xi32>
      %reduce_min3A_1462 = vector.extract %reduce_min3A_1461[0, 0, 0] : i32 from vector<1x1x1xi32>
      %eq3A_1463 = arith.constant 19 : i32
      %eq3A_1464 = vector.broadcast %eq3A_1463 : i32 to vector<1x32xi32>
      %eq3A_1465 = arith.cmpi eq, %iota3A_817, %eq3A_1464 : vector<1x32xi32>
      %broadcast_in_dim3A_1466 = vector.broadcast %reduce_min3A_1452 : f32 to vector<1x32xf32>
      %select_n3A_1467 = arith.select %eq3A_1465, %broadcast_in_dim3A_1466, %select_n3A_1434 : vector<1x32xi1>, vector<1x32xf32>
      %eq3A_1468 = arith.constant 19 : i32
      %eq3A_1469 = vector.broadcast %eq3A_1468 : i32 to vector<1x32xi32>
      %eq3A_1470 = arith.cmpi eq, %iota3A_817, %eq3A_1469 : vector<1x32xi32>
      %broadcast_in_dim3A_1471 = vector.broadcast %reduce_min3A_1462 : i32 to vector<1x32xi32>
      %select_n3A_1472 = arith.select %eq3A_1470, %broadcast_in_dim3A_1471, %select_n3A_1439 : vector<1x32xi1>, vector<1x32xi32>
      %eq3A_1473 = vector.broadcast %reduce_min3A_1452 : f32 to vector<100x32xf32>
      %eq3A_1474 = arith.cmpf oeq, %select_n3A_1447, %eq3A_1473 : vector<100x32xf32>
      %eq3A_1475 = vector.broadcast %reduce_min3A_1462 : i32 to vector<100x32xi32>
      %eq3A_1476 = arith.cmpi eq, %add3A_816, %eq3A_1475 : vector<100x32xi32>
      %and3A_1477 = arith.andi %eq3A_1474, %eq3A_1476 : vector<100x32xi1>
      %jit3A_1478 = arith.constant 0x7F800000 : f32
      %broadcast_in_dim3A_1479 = vector.broadcast %jit3A_1478 : f32 to vector<100x32xf32>
      %select_n3A_1480 = arith.select %and3A_1477, %broadcast_in_dim3A_1479, %select_n3A_1447 : vector<100x32xi1>, vector<100x32xf32>
      %reduce_min3A_1481 = vector.shape_cast %select_n3A_1480 : vector<100x32xf32> to vector<1x100x32xf32>
      %reduce_min3A_1482 = arith.constant dense<0x7F800000> : vector<1xf32>
      %reduce_min3A_1483 = vector.multi_reduction <minimumf>, %reduce_min3A_1481, %reduce_min3A_1482 [1, 2] : vector<1x100x32xf32> to vector<1xf32>
      %reduce_min3A_1484 = vector.shape_cast %reduce_min3A_1483 : vector<1xf32> to vector<1x1x1xf32>
      %reduce_min3A_1485 = vector.extract %reduce_min3A_1484[0, 0, 0] : f32 from vector<1x1x1xf32>
      %eq3A_1486 = vector.broadcast %reduce_min3A_1485 : f32 to vector<100x32xf32>
      %eq3A_1487 = arith.cmpf oeq, %select_n3A_1480, %eq3A_1486 : vector<100x32xf32>
      %jit3A_1488 = arith.constant 1073741824 : i32
      %broadcast_in_dim3A_1489 = vector.broadcast %jit3A_1488 : i32 to vector<100x32xi32>
      %select_n3A_1490 = arith.select %eq3A_1487, %add3A_816, %broadcast_in_dim3A_1489 : vector<100x32xi1>, vector<100x32xi32>
      %reduce_min3A_1491 = vector.shape_cast %select_n3A_1490 : vector<100x32xi32> to vector<1x100x32xi32>
      %reduce_min3A_1492 = arith.constant dense<2147483647> : vector<1xi32>
      %reduce_min3A_1493 = vector.multi_reduction <minsi>, %reduce_min3A_1491, %reduce_min3A_1492 [1, 2] : vector<1x100x32xi32> to vector<1xi32>
      %reduce_min3A_1494 = vector.shape_cast %reduce_min3A_1493 : vector<1xi32> to vector<1x1x1xi32>
      %reduce_min3A_1495 = vector.extract %reduce_min3A_1494[0, 0, 0] : i32 from vector<1x1x1xi32>
      %eq3A_1496 = arith.constant 20 : i32
      %eq3A_1497 = vector.broadcast %eq3A_1496 : i32 to vector<1x32xi32>
      %eq3A_1498 = arith.cmpi eq, %iota3A_817, %eq3A_1497 : vector<1x32xi32>
      %broadcast_in_dim3A_1499 = vector.broadcast %reduce_min3A_1485 : f32 to vector<1x32xf32>
      %select_n3A_1500 = arith.select %eq3A_1498, %broadcast_in_dim3A_1499, %select_n3A_1467 : vector<1x32xi1>, vector<1x32xf32>
      %eq3A_1501 = arith.constant 20 : i32
      %eq3A_1502 = vector.broadcast %eq3A_1501 : i32 to vector<1x32xi32>
      %eq3A_1503 = arith.cmpi eq, %iota3A_817, %eq3A_1502 : vector<1x32xi32>
      %broadcast_in_dim3A_1504 = vector.broadcast %reduce_min3A_1495 : i32 to vector<1x32xi32>
      %select_n3A_1505 = arith.select %eq3A_1503, %broadcast_in_dim3A_1504, %select_n3A_1472 : vector<1x32xi1>, vector<1x32xi32>
      %eq3A_1506 = vector.broadcast %reduce_min3A_1485 : f32 to vector<100x32xf32>
      %eq3A_1507 = arith.cmpf oeq, %select_n3A_1480, %eq3A_1506 : vector<100x32xf32>
      %eq3A_1508 = vector.broadcast %reduce_min3A_1495 : i32 to vector<100x32xi32>
      %eq3A_1509 = arith.cmpi eq, %add3A_816, %eq3A_1508 : vector<100x32xi32>
      %and3A_1510 = arith.andi %eq3A_1507, %eq3A_1509 : vector<100x32xi1>
      %jit3A_1511 = arith.constant 0x7F800000 : f32
      %broadcast_in_dim3A_1512 = vector.broadcast %jit3A_1511 : f32 to vector<100x32xf32>
      %select_n3A_1513 = arith.select %and3A_1510, %broadcast_in_dim3A_1512, %select_n3A_1480 : vector<100x32xi1>, vector<100x32xf32>
      %reduce_min3A_1514 = vector.shape_cast %select_n3A_1513 : vector<100x32xf32> to vector<1x100x32xf32>
      %reduce_min3A_1515 = arith.constant dense<0x7F800000> : vector<1xf32>
      %reduce_min3A_1516 = vector.multi_reduction <minimumf>, %reduce_min3A_1514, %reduce_min3A_1515 [1, 2] : vector<1x100x32xf32> to vector<1xf32>
      %reduce_min3A_1517 = vector.shape_cast %reduce_min3A_1516 : vector<1xf32> to vector<1x1x1xf32>
      %reduce_min3A_1518 = vector.extract %reduce_min3A_1517[0, 0, 0] : f32 from vector<1x1x1xf32>
      %eq3A_1519 = vector.broadcast %reduce_min3A_1518 : f32 to vector<100x32xf32>
      %eq3A_1520 = arith.cmpf oeq, %select_n3A_1513, %eq3A_1519 : vector<100x32xf32>
      %jit3A_1521 = arith.constant 1073741824 : i32
      %broadcast_in_dim3A_1522 = vector.broadcast %jit3A_1521 : i32 to vector<100x32xi32>
      %select_n3A_1523 = arith.select %eq3A_1520, %add3A_816, %broadcast_in_dim3A_1522 : vector<100x32xi1>, vector<100x32xi32>
      %reduce_min3A_1524 = vector.shape_cast %select_n3A_1523 : vector<100x32xi32> to vector<1x100x32xi32>
      %reduce_min3A_1525 = arith.constant dense<2147483647> : vector<1xi32>
      %reduce_min3A_1526 = vector.multi_reduction <minsi>, %reduce_min3A_1524, %reduce_min3A_1525 [1, 2] : vector<1x100x32xi32> to vector<1xi32>
      %reduce_min3A_1527 = vector.shape_cast %reduce_min3A_1526 : vector<1xi32> to vector<1x1x1xi32>
      %reduce_min3A_1528 = vector.extract %reduce_min3A_1527[0, 0, 0] : i32 from vector<1x1x1xi32>
      %eq3A_1529 = arith.constant 21 : i32
      %eq3A_1530 = vector.broadcast %eq3A_1529 : i32 to vector<1x32xi32>
      %eq3A_1531 = arith.cmpi eq, %iota3A_817, %eq3A_1530 : vector<1x32xi32>
      %broadcast_in_dim3A_1532 = vector.broadcast %reduce_min3A_1518 : f32 to vector<1x32xf32>
      %select_n3A_1533 = arith.select %eq3A_1531, %broadcast_in_dim3A_1532, %select_n3A_1500 : vector<1x32xi1>, vector<1x32xf32>
      %eq3A_1534 = arith.constant 21 : i32
      %eq3A_1535 = vector.broadcast %eq3A_1534 : i32 to vector<1x32xi32>
      %eq3A_1536 = arith.cmpi eq, %iota3A_817, %eq3A_1535 : vector<1x32xi32>
      %broadcast_in_dim3A_1537 = vector.broadcast %reduce_min3A_1528 : i32 to vector<1x32xi32>
      %select_n3A_1538 = arith.select %eq3A_1536, %broadcast_in_dim3A_1537, %select_n3A_1505 : vector<1x32xi1>, vector<1x32xi32>
      %eq3A_1539 = vector.broadcast %reduce_min3A_1518 : f32 to vector<100x32xf32>
      %eq3A_1540 = arith.cmpf oeq, %select_n3A_1513, %eq3A_1539 : vector<100x32xf32>
      %eq3A_1541 = vector.broadcast %reduce_min3A_1528 : i32 to vector<100x32xi32>
      %eq3A_1542 = arith.cmpi eq, %add3A_816, %eq3A_1541 : vector<100x32xi32>
      %and3A_1543 = arith.andi %eq3A_1540, %eq3A_1542 : vector<100x32xi1>
      %jit3A_1544 = arith.constant 0x7F800000 : f32
      %broadcast_in_dim3A_1545 = vector.broadcast %jit3A_1544 : f32 to vector<100x32xf32>
      %select_n3A_1546 = arith.select %and3A_1543, %broadcast_in_dim3A_1545, %select_n3A_1513 : vector<100x32xi1>, vector<100x32xf32>
      %reduce_min3A_1547 = vector.shape_cast %select_n3A_1546 : vector<100x32xf32> to vector<1x100x32xf32>
      %reduce_min3A_1548 = arith.constant dense<0x7F800000> : vector<1xf32>
      %reduce_min3A_1549 = vector.multi_reduction <minimumf>, %reduce_min3A_1547, %reduce_min3A_1548 [1, 2] : vector<1x100x32xf32> to vector<1xf32>
      %reduce_min3A_1550 = vector.shape_cast %reduce_min3A_1549 : vector<1xf32> to vector<1x1x1xf32>
      %reduce_min3A_1551 = vector.extract %reduce_min3A_1550[0, 0, 0] : f32 from vector<1x1x1xf32>
      %eq3A_1552 = vector.broadcast %reduce_min3A_1551 : f32 to vector<100x32xf32>
      %eq3A_1553 = arith.cmpf oeq, %select_n3A_1546, %eq3A_1552 : vector<100x32xf32>
      %jit3A_1554 = arith.constant 1073741824 : i32
      %broadcast_in_dim3A_1555 = vector.broadcast %jit3A_1554 : i32 to vector<100x32xi32>
      %select_n3A_1556 = arith.select %eq3A_1553, %add3A_816, %broadcast_in_dim3A_1555 : vector<100x32xi1>, vector<100x32xi32>
      %reduce_min3A_1557 = vector.shape_cast %select_n3A_1556 : vector<100x32xi32> to vector<1x100x32xi32>
      %reduce_min3A_1558 = arith.constant dense<2147483647> : vector<1xi32>
      %reduce_min3A_1559 = vector.multi_reduction <minsi>, %reduce_min3A_1557, %reduce_min3A_1558 [1, 2] : vector<1x100x32xi32> to vector<1xi32>
      %reduce_min3A_1560 = vector.shape_cast %reduce_min3A_1559 : vector<1xi32> to vector<1x1x1xi32>
      %reduce_min3A_1561 = vector.extract %reduce_min3A_1560[0, 0, 0] : i32 from vector<1x1x1xi32>
      %eq3A_1562 = arith.constant 22 : i32
      %eq3A_1563 = vector.broadcast %eq3A_1562 : i32 to vector<1x32xi32>
      %eq3A_1564 = arith.cmpi eq, %iota3A_817, %eq3A_1563 : vector<1x32xi32>
      %broadcast_in_dim3A_1565 = vector.broadcast %reduce_min3A_1551 : f32 to vector<1x32xf32>
      %select_n3A_1566 = arith.select %eq3A_1564, %broadcast_in_dim3A_1565, %select_n3A_1533 : vector<1x32xi1>, vector<1x32xf32>
      %eq3A_1567 = arith.constant 22 : i32
      %eq3A_1568 = vector.broadcast %eq3A_1567 : i32 to vector<1x32xi32>
      %eq3A_1569 = arith.cmpi eq, %iota3A_817, %eq3A_1568 : vector<1x32xi32>
      %broadcast_in_dim3A_1570 = vector.broadcast %reduce_min3A_1561 : i32 to vector<1x32xi32>
      %select_n3A_1571 = arith.select %eq3A_1569, %broadcast_in_dim3A_1570, %select_n3A_1538 : vector<1x32xi1>, vector<1x32xi32>
      %eq3A_1572 = vector.broadcast %reduce_min3A_1551 : f32 to vector<100x32xf32>
      %eq3A_1573 = arith.cmpf oeq, %select_n3A_1546, %eq3A_1572 : vector<100x32xf32>
      %eq3A_1574 = vector.broadcast %reduce_min3A_1561 : i32 to vector<100x32xi32>
      %eq3A_1575 = arith.cmpi eq, %add3A_816, %eq3A_1574 : vector<100x32xi32>
      %and3A_1576 = arith.andi %eq3A_1573, %eq3A_1575 : vector<100x32xi1>
      %jit3A_1577 = arith.constant 0x7F800000 : f32
      %broadcast_in_dim3A_1578 = vector.broadcast %jit3A_1577 : f32 to vector<100x32xf32>
      %select_n3A_1579 = arith.select %and3A_1576, %broadcast_in_dim3A_1578, %select_n3A_1546 : vector<100x32xi1>, vector<100x32xf32>
      %reduce_min3A_1580 = vector.shape_cast %select_n3A_1579 : vector<100x32xf32> to vector<1x100x32xf32>
      %reduce_min3A_1581 = arith.constant dense<0x7F800000> : vector<1xf32>
      %reduce_min3A_1582 = vector.multi_reduction <minimumf>, %reduce_min3A_1580, %reduce_min3A_1581 [1, 2] : vector<1x100x32xf32> to vector<1xf32>
      %reduce_min3A_1583 = vector.shape_cast %reduce_min3A_1582 : vector<1xf32> to vector<1x1x1xf32>
      %reduce_min3A_1584 = vector.extract %reduce_min3A_1583[0, 0, 0] : f32 from vector<1x1x1xf32>
      %eq3A_1585 = vector.broadcast %reduce_min3A_1584 : f32 to vector<100x32xf32>
      %eq3A_1586 = arith.cmpf oeq, %select_n3A_1579, %eq3A_1585 : vector<100x32xf32>
      %jit3A_1587 = arith.constant 1073741824 : i32
      %broadcast_in_dim3A_1588 = vector.broadcast %jit3A_1587 : i32 to vector<100x32xi32>
      %select_n3A_1589 = arith.select %eq3A_1586, %add3A_816, %broadcast_in_dim3A_1588 : vector<100x32xi1>, vector<100x32xi32>
      %reduce_min3A_1590 = vector.shape_cast %select_n3A_1589 : vector<100x32xi32> to vector<1x100x32xi32>
      %reduce_min3A_1591 = arith.constant dense<2147483647> : vector<1xi32>
      %reduce_min3A_1592 = vector.multi_reduction <minsi>, %reduce_min3A_1590, %reduce_min3A_1591 [1, 2] : vector<1x100x32xi32> to vector<1xi32>
      %reduce_min3A_1593 = vector.shape_cast %reduce_min3A_1592 : vector<1xi32> to vector<1x1x1xi32>
      %reduce_min3A_1594 = vector.extract %reduce_min3A_1593[0, 0, 0] : i32 from vector<1x1x1xi32>
      %eq3A_1595 = arith.constant 23 : i32
      %eq3A_1596 = vector.broadcast %eq3A_1595 : i32 to vector<1x32xi32>
      %eq3A_1597 = arith.cmpi eq, %iota3A_817, %eq3A_1596 : vector<1x32xi32>
      %broadcast_in_dim3A_1598 = vector.broadcast %reduce_min3A_1584 : f32 to vector<1x32xf32>
      %select_n3A_1599 = arith.select %eq3A_1597, %broadcast_in_dim3A_1598, %select_n3A_1566 : vector<1x32xi1>, vector<1x32xf32>
      %eq3A_1600 = arith.constant 23 : i32
      %eq3A_1601 = vector.broadcast %eq3A_1600 : i32 to vector<1x32xi32>
      %eq3A_1602 = arith.cmpi eq, %iota3A_817, %eq3A_1601 : vector<1x32xi32>
      %broadcast_in_dim3A_1603 = vector.broadcast %reduce_min3A_1594 : i32 to vector<1x32xi32>
      %select_n3A_1604 = arith.select %eq3A_1602, %broadcast_in_dim3A_1603, %select_n3A_1571 : vector<1x32xi1>, vector<1x32xi32>
      %eq3A_1605 = vector.broadcast %reduce_min3A_1584 : f32 to vector<100x32xf32>
      %eq3A_1606 = arith.cmpf oeq, %select_n3A_1579, %eq3A_1605 : vector<100x32xf32>
      %eq3A_1607 = vector.broadcast %reduce_min3A_1594 : i32 to vector<100x32xi32>
      %eq3A_1608 = arith.cmpi eq, %add3A_816, %eq3A_1607 : vector<100x32xi32>
      %and3A_1609 = arith.andi %eq3A_1606, %eq3A_1608 : vector<100x32xi1>
      %jit3A_1610 = arith.constant 0x7F800000 : f32
      %broadcast_in_dim3A_1611 = vector.broadcast %jit3A_1610 : f32 to vector<100x32xf32>
      %select_n3A_1612 = arith.select %and3A_1609, %broadcast_in_dim3A_1611, %select_n3A_1579 : vector<100x32xi1>, vector<100x32xf32>
      %reduce_min3A_1613 = vector.shape_cast %select_n3A_1612 : vector<100x32xf32> to vector<1x100x32xf32>
      %reduce_min3A_1614 = arith.constant dense<0x7F800000> : vector<1xf32>
      %reduce_min3A_1615 = vector.multi_reduction <minimumf>, %reduce_min3A_1613, %reduce_min3A_1614 [1, 2] : vector<1x100x32xf32> to vector<1xf32>
      %reduce_min3A_1616 = vector.shape_cast %reduce_min3A_1615 : vector<1xf32> to vector<1x1x1xf32>
      %reduce_min3A_1617 = vector.extract %reduce_min3A_1616[0, 0, 0] : f32 from vector<1x1x1xf32>
      %eq3A_1618 = vector.broadcast %reduce_min3A_1617 : f32 to vector<100x32xf32>
      %eq3A_1619 = arith.cmpf oeq, %select_n3A_1612, %eq3A_1618 : vector<100x32xf32>
      %jit3A_1620 = arith.constant 1073741824 : i32
      %broadcast_in_dim3A_1621 = vector.broadcast %jit3A_1620 : i32 to vector<100x32xi32>
      %select_n3A_1622 = arith.select %eq3A_1619, %add3A_816, %broadcast_in_dim3A_1621 : vector<100x32xi1>, vector<100x32xi32>
      %reduce_min3A_1623 = vector.shape_cast %select_n3A_1622 : vector<100x32xi32> to vector<1x100x32xi32>
      %reduce_min3A_1624 = arith.constant dense<2147483647> : vector<1xi32>
      %reduce_min3A_1625 = vector.multi_reduction <minsi>, %reduce_min3A_1623, %reduce_min3A_1624 [1, 2] : vector<1x100x32xi32> to vector<1xi32>
      %reduce_min3A_1626 = vector.shape_cast %reduce_min3A_1625 : vector<1xi32> to vector<1x1x1xi32>
      %reduce_min3A_1627 = vector.extract %reduce_min3A_1626[0, 0, 0] : i32 from vector<1x1x1xi32>
      %eq3A_1628 = arith.constant 24 : i32
      %eq3A_1629 = vector.broadcast %eq3A_1628 : i32 to vector<1x32xi32>
      %eq3A_1630 = arith.cmpi eq, %iota3A_817, %eq3A_1629 : vector<1x32xi32>
      %broadcast_in_dim3A_1631 = vector.broadcast %reduce_min3A_1617 : f32 to vector<1x32xf32>
      %select_n3A_1632 = arith.select %eq3A_1630, %broadcast_in_dim3A_1631, %select_n3A_1599 : vector<1x32xi1>, vector<1x32xf32>
      %eq3A_1633 = arith.constant 24 : i32
      %eq3A_1634 = vector.broadcast %eq3A_1633 : i32 to vector<1x32xi32>
      %eq3A_1635 = arith.cmpi eq, %iota3A_817, %eq3A_1634 : vector<1x32xi32>
      %broadcast_in_dim3A_1636 = vector.broadcast %reduce_min3A_1627 : i32 to vector<1x32xi32>
      %select_n3A_1637 = arith.select %eq3A_1635, %broadcast_in_dim3A_1636, %select_n3A_1604 : vector<1x32xi1>, vector<1x32xi32>
      %eq3A_1638 = vector.broadcast %reduce_min3A_1617 : f32 to vector<100x32xf32>
      %eq3A_1639 = arith.cmpf oeq, %select_n3A_1612, %eq3A_1638 : vector<100x32xf32>
      %eq3A_1640 = vector.broadcast %reduce_min3A_1627 : i32 to vector<100x32xi32>
      %eq3A_1641 = arith.cmpi eq, %add3A_816, %eq3A_1640 : vector<100x32xi32>
      %and3A_1642 = arith.andi %eq3A_1639, %eq3A_1641 : vector<100x32xi1>
      %jit3A_1643 = arith.constant 0x7F800000 : f32
      %broadcast_in_dim3A_1644 = vector.broadcast %jit3A_1643 : f32 to vector<100x32xf32>
      %select_n3A_1645 = arith.select %and3A_1642, %broadcast_in_dim3A_1644, %select_n3A_1612 : vector<100x32xi1>, vector<100x32xf32>
      %reduce_min3A_1646 = vector.shape_cast %select_n3A_1645 : vector<100x32xf32> to vector<1x100x32xf32>
      %reduce_min3A_1647 = arith.constant dense<0x7F800000> : vector<1xf32>
      %reduce_min3A_1648 = vector.multi_reduction <minimumf>, %reduce_min3A_1646, %reduce_min3A_1647 [1, 2] : vector<1x100x32xf32> to vector<1xf32>
      %reduce_min3A_1649 = vector.shape_cast %reduce_min3A_1648 : vector<1xf32> to vector<1x1x1xf32>
      %reduce_min3A_1650 = vector.extract %reduce_min3A_1649[0, 0, 0] : f32 from vector<1x1x1xf32>
      %eq3A_1651 = vector.broadcast %reduce_min3A_1650 : f32 to vector<100x32xf32>
      %eq3A_1652 = arith.cmpf oeq, %select_n3A_1645, %eq3A_1651 : vector<100x32xf32>
      %jit3A_1653 = arith.constant 1073741824 : i32
      %broadcast_in_dim3A_1654 = vector.broadcast %jit3A_1653 : i32 to vector<100x32xi32>
      %select_n3A_1655 = arith.select %eq3A_1652, %add3A_816, %broadcast_in_dim3A_1654 : vector<100x32xi1>, vector<100x32xi32>
      %reduce_min3A_1656 = vector.shape_cast %select_n3A_1655 : vector<100x32xi32> to vector<1x100x32xi32>
      %reduce_min3A_1657 = arith.constant dense<2147483647> : vector<1xi32>
      %reduce_min3A_1658 = vector.multi_reduction <minsi>, %reduce_min3A_1656, %reduce_min3A_1657 [1, 2] : vector<1x100x32xi32> to vector<1xi32>
      %reduce_min3A_1659 = vector.shape_cast %reduce_min3A_1658 : vector<1xi32> to vector<1x1x1xi32>
      %reduce_min3A_1660 = vector.extract %reduce_min3A_1659[0, 0, 0] : i32 from vector<1x1x1xi32>
      %eq3A_1661 = arith.constant 25 : i32
      %eq3A_1662 = vector.broadcast %eq3A_1661 : i32 to vector<1x32xi32>
      %eq3A_1663 = arith.cmpi eq, %iota3A_817, %eq3A_1662 : vector<1x32xi32>
      %broadcast_in_dim3A_1664 = vector.broadcast %reduce_min3A_1650 : f32 to vector<1x32xf32>
      %select_n3A_1665 = arith.select %eq3A_1663, %broadcast_in_dim3A_1664, %select_n3A_1632 : vector<1x32xi1>, vector<1x32xf32>
      %eq3A_1666 = arith.constant 25 : i32
      %eq3A_1667 = vector.broadcast %eq3A_1666 : i32 to vector<1x32xi32>
      %eq3A_1668 = arith.cmpi eq, %iota3A_817, %eq3A_1667 : vector<1x32xi32>
      %broadcast_in_dim3A_1669 = vector.broadcast %reduce_min3A_1660 : i32 to vector<1x32xi32>
      %select_n3A_1670 = arith.select %eq3A_1668, %broadcast_in_dim3A_1669, %select_n3A_1637 : vector<1x32xi1>, vector<1x32xi32>
      %eq3A_1671 = vector.broadcast %reduce_min3A_1650 : f32 to vector<100x32xf32>
      %eq3A_1672 = arith.cmpf oeq, %select_n3A_1645, %eq3A_1671 : vector<100x32xf32>
      %eq3A_1673 = vector.broadcast %reduce_min3A_1660 : i32 to vector<100x32xi32>
      %eq3A_1674 = arith.cmpi eq, %add3A_816, %eq3A_1673 : vector<100x32xi32>
      %and3A_1675 = arith.andi %eq3A_1672, %eq3A_1674 : vector<100x32xi1>
      %jit3A_1676 = arith.constant 0x7F800000 : f32
      %broadcast_in_dim3A_1677 = vector.broadcast %jit3A_1676 : f32 to vector<100x32xf32>
      %select_n3A_1678 = arith.select %and3A_1675, %broadcast_in_dim3A_1677, %select_n3A_1645 : vector<100x32xi1>, vector<100x32xf32>
      %reduce_min3A_1679 = vector.shape_cast %select_n3A_1678 : vector<100x32xf32> to vector<1x100x32xf32>
      %reduce_min3A_1680 = arith.constant dense<0x7F800000> : vector<1xf32>
      %reduce_min3A_1681 = vector.multi_reduction <minimumf>, %reduce_min3A_1679, %reduce_min3A_1680 [1, 2] : vector<1x100x32xf32> to vector<1xf32>
      %reduce_min3A_1682 = vector.shape_cast %reduce_min3A_1681 : vector<1xf32> to vector<1x1x1xf32>
      %reduce_min3A_1683 = vector.extract %reduce_min3A_1682[0, 0, 0] : f32 from vector<1x1x1xf32>
      %eq3A_1684 = vector.broadcast %reduce_min3A_1683 : f32 to vector<100x32xf32>
      %eq3A_1685 = arith.cmpf oeq, %select_n3A_1678, %eq3A_1684 : vector<100x32xf32>
      %jit3A_1686 = arith.constant 1073741824 : i32
      %broadcast_in_dim3A_1687 = vector.broadcast %jit3A_1686 : i32 to vector<100x32xi32>
      %select_n3A_1688 = arith.select %eq3A_1685, %add3A_816, %broadcast_in_dim3A_1687 : vector<100x32xi1>, vector<100x32xi32>
      %reduce_min3A_1689 = vector.shape_cast %select_n3A_1688 : vector<100x32xi32> to vector<1x100x32xi32>
      %reduce_min3A_1690 = arith.constant dense<2147483647> : vector<1xi32>
      %reduce_min3A_1691 = vector.multi_reduction <minsi>, %reduce_min3A_1689, %reduce_min3A_1690 [1, 2] : vector<1x100x32xi32> to vector<1xi32>
      %reduce_min3A_1692 = vector.shape_cast %reduce_min3A_1691 : vector<1xi32> to vector<1x1x1xi32>
      %reduce_min3A_1693 = vector.extract %reduce_min3A_1692[0, 0, 0] : i32 from vector<1x1x1xi32>
      %eq3A_1694 = arith.constant 26 : i32
      %eq3A_1695 = vector.broadcast %eq3A_1694 : i32 to vector<1x32xi32>
      %eq3A_1696 = arith.cmpi eq, %iota3A_817, %eq3A_1695 : vector<1x32xi32>
      %broadcast_in_dim3A_1697 = vector.broadcast %reduce_min3A_1683 : f32 to vector<1x32xf32>
      %select_n3A_1698 = arith.select %eq3A_1696, %broadcast_in_dim3A_1697, %select_n3A_1665 : vector<1x32xi1>, vector<1x32xf32>
      %eq3A_1699 = arith.constant 26 : i32
      %eq3A_1700 = vector.broadcast %eq3A_1699 : i32 to vector<1x32xi32>
      %eq3A_1701 = arith.cmpi eq, %iota3A_817, %eq3A_1700 : vector<1x32xi32>
      %broadcast_in_dim3A_1702 = vector.broadcast %reduce_min3A_1693 : i32 to vector<1x32xi32>
      %select_n3A_1703 = arith.select %eq3A_1701, %broadcast_in_dim3A_1702, %select_n3A_1670 : vector<1x32xi1>, vector<1x32xi32>
      %eq3A_1704 = vector.broadcast %reduce_min3A_1683 : f32 to vector<100x32xf32>
      %eq3A_1705 = arith.cmpf oeq, %select_n3A_1678, %eq3A_1704 : vector<100x32xf32>
      %eq3A_1706 = vector.broadcast %reduce_min3A_1693 : i32 to vector<100x32xi32>
      %eq3A_1707 = arith.cmpi eq, %add3A_816, %eq3A_1706 : vector<100x32xi32>
      %and3A_1708 = arith.andi %eq3A_1705, %eq3A_1707 : vector<100x32xi1>
      %jit3A_1709 = arith.constant 0x7F800000 : f32
      %broadcast_in_dim3A_1710 = vector.broadcast %jit3A_1709 : f32 to vector<100x32xf32>
      %select_n3A_1711 = arith.select %and3A_1708, %broadcast_in_dim3A_1710, %select_n3A_1678 : vector<100x32xi1>, vector<100x32xf32>
      %reduce_min3A_1712 = vector.shape_cast %select_n3A_1711 : vector<100x32xf32> to vector<1x100x32xf32>
      %reduce_min3A_1713 = arith.constant dense<0x7F800000> : vector<1xf32>
      %reduce_min3A_1714 = vector.multi_reduction <minimumf>, %reduce_min3A_1712, %reduce_min3A_1713 [1, 2] : vector<1x100x32xf32> to vector<1xf32>
      %reduce_min3A_1715 = vector.shape_cast %reduce_min3A_1714 : vector<1xf32> to vector<1x1x1xf32>
      %reduce_min3A_1716 = vector.extract %reduce_min3A_1715[0, 0, 0] : f32 from vector<1x1x1xf32>
      %eq3A_1717 = vector.broadcast %reduce_min3A_1716 : f32 to vector<100x32xf32>
      %eq3A_1718 = arith.cmpf oeq, %select_n3A_1711, %eq3A_1717 : vector<100x32xf32>
      %jit3A_1719 = arith.constant 1073741824 : i32
      %broadcast_in_dim3A_1720 = vector.broadcast %jit3A_1719 : i32 to vector<100x32xi32>
      %select_n3A_1721 = arith.select %eq3A_1718, %add3A_816, %broadcast_in_dim3A_1720 : vector<100x32xi1>, vector<100x32xi32>
      %reduce_min3A_1722 = vector.shape_cast %select_n3A_1721 : vector<100x32xi32> to vector<1x100x32xi32>
      %reduce_min3A_1723 = arith.constant dense<2147483647> : vector<1xi32>
      %reduce_min3A_1724 = vector.multi_reduction <minsi>, %reduce_min3A_1722, %reduce_min3A_1723 [1, 2] : vector<1x100x32xi32> to vector<1xi32>
      %reduce_min3A_1725 = vector.shape_cast %reduce_min3A_1724 : vector<1xi32> to vector<1x1x1xi32>
      %reduce_min3A_1726 = vector.extract %reduce_min3A_1725[0, 0, 0] : i32 from vector<1x1x1xi32>
      %eq3A_1727 = arith.constant 27 : i32
      %eq3A_1728 = vector.broadcast %eq3A_1727 : i32 to vector<1x32xi32>
      %eq3A_1729 = arith.cmpi eq, %iota3A_817, %eq3A_1728 : vector<1x32xi32>
      %broadcast_in_dim3A_1730 = vector.broadcast %reduce_min3A_1716 : f32 to vector<1x32xf32>
      %select_n3A_1731 = arith.select %eq3A_1729, %broadcast_in_dim3A_1730, %select_n3A_1698 : vector<1x32xi1>, vector<1x32xf32>
      %eq3A_1732 = arith.constant 27 : i32
      %eq3A_1733 = vector.broadcast %eq3A_1732 : i32 to vector<1x32xi32>
      %eq3A_1734 = arith.cmpi eq, %iota3A_817, %eq3A_1733 : vector<1x32xi32>
      %broadcast_in_dim3A_1735 = vector.broadcast %reduce_min3A_1726 : i32 to vector<1x32xi32>
      %select_n3A_1736 = arith.select %eq3A_1734, %broadcast_in_dim3A_1735, %select_n3A_1703 : vector<1x32xi1>, vector<1x32xi32>
      %eq3A_1737 = vector.broadcast %reduce_min3A_1716 : f32 to vector<100x32xf32>
      %eq3A_1738 = arith.cmpf oeq, %select_n3A_1711, %eq3A_1737 : vector<100x32xf32>
      %eq3A_1739 = vector.broadcast %reduce_min3A_1726 : i32 to vector<100x32xi32>
      %eq3A_1740 = arith.cmpi eq, %add3A_816, %eq3A_1739 : vector<100x32xi32>
      %and3A_1741 = arith.andi %eq3A_1738, %eq3A_1740 : vector<100x32xi1>
      %jit3A_1742 = arith.constant 0x7F800000 : f32
      %broadcast_in_dim3A_1743 = vector.broadcast %jit3A_1742 : f32 to vector<100x32xf32>
      %select_n3A_1744 = arith.select %and3A_1741, %broadcast_in_dim3A_1743, %select_n3A_1711 : vector<100x32xi1>, vector<100x32xf32>
      %reduce_min3A_1745 = vector.shape_cast %select_n3A_1744 : vector<100x32xf32> to vector<1x100x32xf32>
      %reduce_min3A_1746 = arith.constant dense<0x7F800000> : vector<1xf32>
      %reduce_min3A_1747 = vector.multi_reduction <minimumf>, %reduce_min3A_1745, %reduce_min3A_1746 [1, 2] : vector<1x100x32xf32> to vector<1xf32>
      %reduce_min3A_1748 = vector.shape_cast %reduce_min3A_1747 : vector<1xf32> to vector<1x1x1xf32>
      %reduce_min3A_1749 = vector.extract %reduce_min3A_1748[0, 0, 0] : f32 from vector<1x1x1xf32>
      %eq3A_1750 = vector.broadcast %reduce_min3A_1749 : f32 to vector<100x32xf32>
      %eq3A_1751 = arith.cmpf oeq, %select_n3A_1744, %eq3A_1750 : vector<100x32xf32>
      %jit3A_1752 = arith.constant 1073741824 : i32
      %broadcast_in_dim3A_1753 = vector.broadcast %jit3A_1752 : i32 to vector<100x32xi32>
      %select_n3A_1754 = arith.select %eq3A_1751, %add3A_816, %broadcast_in_dim3A_1753 : vector<100x32xi1>, vector<100x32xi32>
      %reduce_min3A_1755 = vector.shape_cast %select_n3A_1754 : vector<100x32xi32> to vector<1x100x32xi32>
      %reduce_min3A_1756 = arith.constant dense<2147483647> : vector<1xi32>
      %reduce_min3A_1757 = vector.multi_reduction <minsi>, %reduce_min3A_1755, %reduce_min3A_1756 [1, 2] : vector<1x100x32xi32> to vector<1xi32>
      %reduce_min3A_1758 = vector.shape_cast %reduce_min3A_1757 : vector<1xi32> to vector<1x1x1xi32>
      %reduce_min3A_1759 = vector.extract %reduce_min3A_1758[0, 0, 0] : i32 from vector<1x1x1xi32>
      %eq3A_1760 = arith.constant 28 : i32
      %eq3A_1761 = vector.broadcast %eq3A_1760 : i32 to vector<1x32xi32>
      %eq3A_1762 = arith.cmpi eq, %iota3A_817, %eq3A_1761 : vector<1x32xi32>
      %broadcast_in_dim3A_1763 = vector.broadcast %reduce_min3A_1749 : f32 to vector<1x32xf32>
      %select_n3A_1764 = arith.select %eq3A_1762, %broadcast_in_dim3A_1763, %select_n3A_1731 : vector<1x32xi1>, vector<1x32xf32>
      %eq3A_1765 = arith.constant 28 : i32
      %eq3A_1766 = vector.broadcast %eq3A_1765 : i32 to vector<1x32xi32>
      %eq3A_1767 = arith.cmpi eq, %iota3A_817, %eq3A_1766 : vector<1x32xi32>
      %broadcast_in_dim3A_1768 = vector.broadcast %reduce_min3A_1759 : i32 to vector<1x32xi32>
      %select_n3A_1769 = arith.select %eq3A_1767, %broadcast_in_dim3A_1768, %select_n3A_1736 : vector<1x32xi1>, vector<1x32xi32>
      %eq3A_1770 = vector.broadcast %reduce_min3A_1749 : f32 to vector<100x32xf32>
      %eq3A_1771 = arith.cmpf oeq, %select_n3A_1744, %eq3A_1770 : vector<100x32xf32>
      %eq3A_1772 = vector.broadcast %reduce_min3A_1759 : i32 to vector<100x32xi32>
      %eq3A_1773 = arith.cmpi eq, %add3A_816, %eq3A_1772 : vector<100x32xi32>
      %and3A_1774 = arith.andi %eq3A_1771, %eq3A_1773 : vector<100x32xi1>
      %jit3A_1775 = arith.constant 0x7F800000 : f32
      %broadcast_in_dim3A_1776 = vector.broadcast %jit3A_1775 : f32 to vector<100x32xf32>
      %select_n3A_1777 = arith.select %and3A_1774, %broadcast_in_dim3A_1776, %select_n3A_1744 : vector<100x32xi1>, vector<100x32xf32>
      %reduce_min3A_1778 = vector.shape_cast %select_n3A_1777 : vector<100x32xf32> to vector<1x100x32xf32>
      %reduce_min3A_1779 = arith.constant dense<0x7F800000> : vector<1xf32>
      %reduce_min3A_1780 = vector.multi_reduction <minimumf>, %reduce_min3A_1778, %reduce_min3A_1779 [1, 2] : vector<1x100x32xf32> to vector<1xf32>
      %reduce_min3A_1781 = vector.shape_cast %reduce_min3A_1780 : vector<1xf32> to vector<1x1x1xf32>
      %reduce_min3A_1782 = vector.extract %reduce_min3A_1781[0, 0, 0] : f32 from vector<1x1x1xf32>
      %eq3A_1783 = vector.broadcast %reduce_min3A_1782 : f32 to vector<100x32xf32>
      %eq3A_1784 = arith.cmpf oeq, %select_n3A_1777, %eq3A_1783 : vector<100x32xf32>
      %jit3A_1785 = arith.constant 1073741824 : i32
      %broadcast_in_dim3A_1786 = vector.broadcast %jit3A_1785 : i32 to vector<100x32xi32>
      %select_n3A_1787 = arith.select %eq3A_1784, %add3A_816, %broadcast_in_dim3A_1786 : vector<100x32xi1>, vector<100x32xi32>
      %reduce_min3A_1788 = vector.shape_cast %select_n3A_1787 : vector<100x32xi32> to vector<1x100x32xi32>
      %reduce_min3A_1789 = arith.constant dense<2147483647> : vector<1xi32>
      %reduce_min3A_1790 = vector.multi_reduction <minsi>, %reduce_min3A_1788, %reduce_min3A_1789 [1, 2] : vector<1x100x32xi32> to vector<1xi32>
      %reduce_min3A_1791 = vector.shape_cast %reduce_min3A_1790 : vector<1xi32> to vector<1x1x1xi32>
      %reduce_min3A_1792 = vector.extract %reduce_min3A_1791[0, 0, 0] : i32 from vector<1x1x1xi32>
      %eq3A_1793 = arith.constant 29 : i32
      %eq3A_1794 = vector.broadcast %eq3A_1793 : i32 to vector<1x32xi32>
      %eq3A_1795 = arith.cmpi eq, %iota3A_817, %eq3A_1794 : vector<1x32xi32>
      %broadcast_in_dim3A_1796 = vector.broadcast %reduce_min3A_1782 : f32 to vector<1x32xf32>
      %select_n3A_1797 = arith.select %eq3A_1795, %broadcast_in_dim3A_1796, %select_n3A_1764 : vector<1x32xi1>, vector<1x32xf32>
      %eq3A_1798 = arith.constant 29 : i32
      %eq3A_1799 = vector.broadcast %eq3A_1798 : i32 to vector<1x32xi32>
      %eq3A_1800 = arith.cmpi eq, %iota3A_817, %eq3A_1799 : vector<1x32xi32>
      %broadcast_in_dim3A_1801 = vector.broadcast %reduce_min3A_1792 : i32 to vector<1x32xi32>
      %select_n3A_1802 = arith.select %eq3A_1800, %broadcast_in_dim3A_1801, %select_n3A_1769 : vector<1x32xi1>, vector<1x32xi32>
      %eq3A_1803 = vector.broadcast %reduce_min3A_1782 : f32 to vector<100x32xf32>
      %eq3A_1804 = arith.cmpf oeq, %select_n3A_1777, %eq3A_1803 : vector<100x32xf32>
      %eq3A_1805 = vector.broadcast %reduce_min3A_1792 : i32 to vector<100x32xi32>
      %eq3A_1806 = arith.cmpi eq, %add3A_816, %eq3A_1805 : vector<100x32xi32>
      %and3A_1807 = arith.andi %eq3A_1804, %eq3A_1806 : vector<100x32xi1>
      %jit3A_1808 = arith.constant 0x7F800000 : f32
      %broadcast_in_dim3A_1809 = vector.broadcast %jit3A_1808 : f32 to vector<100x32xf32>
      %select_n3A_1810 = arith.select %and3A_1807, %broadcast_in_dim3A_1809, %select_n3A_1777 : vector<100x32xi1>, vector<100x32xf32>
      %reduce_min3A_1811 = vector.shape_cast %select_n3A_1810 : vector<100x32xf32> to vector<1x100x32xf32>
      %reduce_min3A_1812 = arith.constant dense<0x7F800000> : vector<1xf32>
      %reduce_min3A_1813 = vector.multi_reduction <minimumf>, %reduce_min3A_1811, %reduce_min3A_1812 [1, 2] : vector<1x100x32xf32> to vector<1xf32>
      %reduce_min3A_1814 = vector.shape_cast %reduce_min3A_1813 : vector<1xf32> to vector<1x1x1xf32>
      %reduce_min3A_1815 = vector.extract %reduce_min3A_1814[0, 0, 0] : f32 from vector<1x1x1xf32>
      %eq3A_1816 = vector.broadcast %reduce_min3A_1815 : f32 to vector<100x32xf32>
      %eq3A_1817 = arith.cmpf oeq, %select_n3A_1810, %eq3A_1816 : vector<100x32xf32>
      %jit3A_1818 = arith.constant 1073741824 : i32
      %broadcast_in_dim3A_1819 = vector.broadcast %jit3A_1818 : i32 to vector<100x32xi32>
      %select_n3A_1820 = arith.select %eq3A_1817, %add3A_816, %broadcast_in_dim3A_1819 : vector<100x32xi1>, vector<100x32xi32>
      %reduce_min3A_1821 = vector.shape_cast %select_n3A_1820 : vector<100x32xi32> to vector<1x100x32xi32>
      %reduce_min3A_1822 = arith.constant dense<2147483647> : vector<1xi32>
      %reduce_min3A_1823 = vector.multi_reduction <minsi>, %reduce_min3A_1821, %reduce_min3A_1822 [1, 2] : vector<1x100x32xi32> to vector<1xi32>
      %reduce_min3A_1824 = vector.shape_cast %reduce_min3A_1823 : vector<1xi32> to vector<1x1x1xi32>
      %reduce_min3A_1825 = vector.extract %reduce_min3A_1824[0, 0, 0] : i32 from vector<1x1x1xi32>
      %eq3A_1826 = arith.constant 30 : i32
      %eq3A_1827 = vector.broadcast %eq3A_1826 : i32 to vector<1x32xi32>
      %eq3A_1828 = arith.cmpi eq, %iota3A_817, %eq3A_1827 : vector<1x32xi32>
      %broadcast_in_dim3A_1829 = vector.broadcast %reduce_min3A_1815 : f32 to vector<1x32xf32>
      %select_n3A_1830 = arith.select %eq3A_1828, %broadcast_in_dim3A_1829, %select_n3A_1797 : vector<1x32xi1>, vector<1x32xf32>
      %eq3A_1831 = arith.constant 30 : i32
      %eq3A_1832 = vector.broadcast %eq3A_1831 : i32 to vector<1x32xi32>
      %eq3A_1833 = arith.cmpi eq, %iota3A_817, %eq3A_1832 : vector<1x32xi32>
      %broadcast_in_dim3A_1834 = vector.broadcast %reduce_min3A_1825 : i32 to vector<1x32xi32>
      %select_n3A_1835 = arith.select %eq3A_1833, %broadcast_in_dim3A_1834, %select_n3A_1802 : vector<1x32xi1>, vector<1x32xi32>
      %eq3A_1836 = vector.broadcast %reduce_min3A_1815 : f32 to vector<100x32xf32>
      %eq3A_1837 = arith.cmpf oeq, %select_n3A_1810, %eq3A_1836 : vector<100x32xf32>
      %eq3A_1838 = vector.broadcast %reduce_min3A_1825 : i32 to vector<100x32xi32>
      %eq3A_1839 = arith.cmpi eq, %add3A_816, %eq3A_1838 : vector<100x32xi32>
      %and3A_1840 = arith.andi %eq3A_1837, %eq3A_1839 : vector<100x32xi1>
      %jit3A_1841 = arith.constant 0x7F800000 : f32
      %broadcast_in_dim3A_1842 = vector.broadcast %jit3A_1841 : f32 to vector<100x32xf32>
      %select_n3A_1843 = arith.select %and3A_1840, %broadcast_in_dim3A_1842, %select_n3A_1810 : vector<100x32xi1>, vector<100x32xf32>
      %reduce_min3A_1844 = vector.shape_cast %select_n3A_1843 : vector<100x32xf32> to vector<1x100x32xf32>
      %reduce_min3A_1845 = arith.constant dense<0x7F800000> : vector<1xf32>
      %reduce_min3A_1846 = vector.multi_reduction <minimumf>, %reduce_min3A_1844, %reduce_min3A_1845 [1, 2] : vector<1x100x32xf32> to vector<1xf32>
      %reduce_min3A_1847 = vector.shape_cast %reduce_min3A_1846 : vector<1xf32> to vector<1x1x1xf32>
      %reduce_min3A_1848 = vector.extract %reduce_min3A_1847[0, 0, 0] : f32 from vector<1x1x1xf32>
      %eq3A_1849 = vector.broadcast %reduce_min3A_1848 : f32 to vector<100x32xf32>
      %eq3A_1850 = arith.cmpf oeq, %select_n3A_1843, %eq3A_1849 : vector<100x32xf32>
      %jit3A_1851 = arith.constant 1073741824 : i32
      %broadcast_in_dim3A_1852 = vector.broadcast %jit3A_1851 : i32 to vector<100x32xi32>
      %select_n3A_1853 = arith.select %eq3A_1850, %add3A_816, %broadcast_in_dim3A_1852 : vector<100x32xi1>, vector<100x32xi32>
      %reduce_min3A_1854 = vector.shape_cast %select_n3A_1853 : vector<100x32xi32> to vector<1x100x32xi32>
      %reduce_min3A_1855 = arith.constant dense<2147483647> : vector<1xi32>
      %reduce_min3A_1856 = vector.multi_reduction <minsi>, %reduce_min3A_1854, %reduce_min3A_1855 [1, 2] : vector<1x100x32xi32> to vector<1xi32>
      %reduce_min3A_1857 = vector.shape_cast %reduce_min3A_1856 : vector<1xi32> to vector<1x1x1xi32>
      %reduce_min3A_1858 = vector.extract %reduce_min3A_1857[0, 0, 0] : i32 from vector<1x1x1xi32>
      %eq3A_1859 = arith.constant 31 : i32
      %eq3A_1860 = vector.broadcast %eq3A_1859 : i32 to vector<1x32xi32>
      %eq3A_1861 = arith.cmpi eq, %iota3A_817, %eq3A_1860 : vector<1x32xi32>
      %broadcast_in_dim3A_1862 = vector.broadcast %reduce_min3A_1848 : f32 to vector<1x32xf32>
      %select_n3A_1863 = arith.select %eq3A_1861, %broadcast_in_dim3A_1862, %select_n3A_1830 : vector<1x32xi1>, vector<1x32xf32>
      %eq3A_1864 = arith.constant 31 : i32
      %eq3A_1865 = vector.broadcast %eq3A_1864 : i32 to vector<1x32xi32>
      %eq3A_1866 = arith.cmpi eq, %iota3A_817, %eq3A_1865 : vector<1x32xi32>
      %broadcast_in_dim3A_1867 = vector.broadcast %reduce_min3A_1858 : i32 to vector<1x32xi32>
      %select_n3A_1868 = arith.select %eq3A_1866, %broadcast_in_dim3A_1867, %select_n3A_1835 : vector<1x32xi1>, vector<1x32xi32>
      %sqrt3A = math.sqrt %select_n3A_1863 : vector<1x32xf32>
      %swap3A_1869 = arith.constant 0 : index
      %swap3A_1870 = arith.constant 0 : index
      %swap3A_1871 = vector.load %arg3[%swap3A_1869, %swap3A_1870] : memref<1x32xf32, #tpu.memory_space<vmem>>, vector<1x32xf32>
      tpu.vector_store %arg3[%swap3A_1869, %swap3A_1870], %sqrt3A {strides = array<i32>} : memref<1x32xf32, #tpu.memory_space<vmem>>, vector<1x32xf32>,
      %swap3A_1872 = arith.constant 0 : index
      %swap3A_1873 = arith.constant 0 : index
      %swap3A_1874 = vector.load %arg4[%swap3A_1872, %swap3A_1873] : memref<1x32xi32, #tpu.memory_space<vmem>>, vector<1x32xi32>
      tpu.vector_store %arg4[%swap3A_1872, %swap3A_1873], %select_n3A_1868 {strides = array<i32>} : memref<1x32xi32, #tpu.memory_space<vmem>>, vector<1x32xi32>,
    } else {
    }
    return
  }
  func.func @transform_0(%arg0: i32) -> (i32, i32) {
    %c0_i32 = arith.constant 0 : i32
    %c0_i32_0 = arith.constant 0 : i32
    %c0_i32_1 = arith.constant 0 : i32
    return %c0_i32, %c0_i32_0 : i32, i32
  }
  func.func @transform_1(%arg0: i32) -> (i32, i32) {
    %c0_i32 = arith.constant 0 : i32
    %c0_i32_0 = arith.constant 0 : i32
    return %arg0, %c0_i32 : i32, i32
  }
  func.func @transform_2(%arg0: i32) -> (i32, i32) {
    %c0_i32 = arith.constant 0 : i32
    %c0_i32_0 = arith.constant 0 : i32
    %c0_i32_1 = arith.constant 0 : i32
    return %c0_i32, %c0_i32_0 : i32, i32
  }
  func.func @transform_3(%arg0: i32) -> (i32, i32) {
    %c0_i32 = arith.constant 0 : i32
    %c0_i32_0 = arith.constant 0 : i32
    %c0_i32_1 = arith.constant 0 : i32
    return %c0_i32, %c0_i32_0 : i32, i32
  }
}

</mosaic_0001>

<sc_bundles>
// kernel: kernel.4.cloned.1.call-start
scs
__scs_entry_jumppad:
0x0: {  	(pc) =	sbr.rel $0x88, $3  }
0x1: {  	(tag) =	ssettag $0x0;
	lr =	simm.s32 $0x1  }
0x2: {  	[smem:$0x3F9E] =	sst lr;
	_ =	strace $0xD0000000  }
0x3: {  	_ = 	snop  }
0x4: {  	_ = 	snop  }
0x5: {  	_ = 	snop  }
0x6: {  	_ = 	snop  }
0x7: {  	_ = 	snop  }
__scs_overlays_trampoline_lowered:
0x8: {  	[smem:$0x3FAD] =	sst s0  }
0x9: {  	[smem:$0x3FAE] =	sst s1  }
0xa: {  	[smem:$0x3FAF] =	sst s2  }
0xb: {  	[smem:$0x3FB0] =	sst s3  }
0xc: {  	[smem:$0x3FB1] =	sst s4  }
0xd: {  	[smem:$0x3FB2] =	sst s5  }
0xe: {  	[smem:$0x3FB3] =	sst s6  }
0xf: {  	[smem:$0x3FB4] =	sst s7  }
0x10: {  	[smem:$0x3FB5] =	sst s8  }
0x11: {  	[smem:$0x3FB6] =	sst s9;
	s0 =	simm.s32 @!p0 $0x0  }
0x12: {  	s1 =	sld [smem:$0x3F9C];
	s0 =	simm.s32 @p0 $0x1  }
0x13: {  	[smem:$0x3FB7] =	sst s0;
	s0 =	simm.s32 @!p1 $0x0  }
0x14: {  	s2 =	sld [smem:$0x3F9B];
	s0 =	simm.s32 @p1 $0x1  }
0x15: {  	[smem:$0x3FB8] =	sst s0;
	s0 =	simm.s32 @!p2 $0x0  }
0x16: {  	s3 =	sld [smem:$0x3FDB];
	s0 =	simm.s32 @p2 $0x1  }
0x17: {  	s4 =	simm.s32 $0x1BF5;
	[smem:$0x3FBA] =	sst s0  }
0x18: {  	s0 =	sld [smem:$0x3F9D];
	_ =	swait.ge [sflag:s4], $0x0  }
0x19: {  	s7 =	sld [smem:$0x3F9E]  }
0x1a: {  	s8 =	sadd.s32 $0xFFFFE003, lr  }
0x1b: {  	s9 =	sadd.s32 $0xFFFFFEF7, lr;
	s5 =	simm.s32 $0xFFFFFFFF;
	p2 =	slt.u32 s8, $0xFFFFF086  }
0x1c: {  	p1 =	slt.u32 s9, $0xF7A;
	s5 =	simm.s32 @!p2 $0x0  }
0x1d: {  	s5 =	simm.s32 @p1 $0x1;
	p0 =	seq.s32 s7, s2  }
0x1e: {  	s7 =	smul.u32 @!p0 $0xF7A, s2;
	p2 =	seq.s32 @!p0 s5, $0x0  }
0x1f: {  	s9 =	smul.u32 $0xF7A, s1;
	s8 =	simm.s32 @!p0 $0x1BF5;
	p2 =	por !p2, p0  }
0x20: {  	[sflag:s8] =	ssyncset.s32 @!p0 $0xFFFFF086;
	s6 =	sadd.s32 @!p0 s3, s7;
	s7 =	simm.s32 @!p0 $0x108  }
0x21: {  	s3 =	sadd.s32 s3, s9;
	s6 =	sadd.s32 @!p0 $0x88, s6;
	s7 =	simm.s32 @p2 $0x1082  }
0x22: {  	[simem:s7], [sflag:s8] =	dma.local @!p0 [hbm:s6], $0xF7A  }
0x23: {  	s9 =	sor.u32 $0xD0000000, s2;
	s6 =	simm.s32 $0x108;
	_ =	swait.ge @!p0 [sflag:s8], $0x0  }
0x24: {  	s3 =	sadd.s32 $0x88, s3;
	s6 =	simm.s32 @!p1 $0x1082;
	[sflag:s4] =	ssyncset.s32 $0xFFFFF086  }
0x25: {  	[simem:s6], [sflag:s4] =	dma.local [hbm:s3], $0xF7A  }
0x26: {  	[smem:$0x3F9E] =	sst s1;
	(tag) =	ssettag s2;
	_ =	strace s9  }
0x27: {  	s1 =	sld [smem:$0x3FAE]  }
0x28: {  	s2 =	sld [smem:$0x3FAF]  }
0x29: {  	s4 =	sld [smem:$0x3FB1]  }
0x2a: {  	p0 =	seq.s32 s5, $0x0;
	s5 =	sld [smem:$0x3FB2]  }
0x2b: {  	s6 =	sld [smem:$0x3FB3]  }
0x2c: {  	s7 =	sld [smem:$0x3FB4]  }
0x2d: {  	s3 =	simm.s32 $0x108;
	s8 =	sld [smem:$0x3FB5]  }
0x2e: {  	s3 =	simm.s32 @!p0 $0x1082;
	s9 =	sld [smem:$0x3FB6]  }
0x2f: {  	lr =	sadd.s32 s0, s3;
	s0 =	sld [smem:$0x3FAD]  }
0x30: {  	s3 =	sld [smem:$0x3FB0]  }
0x31: {  	[smem:$0x3FB9] =	sst s10  }
0x32: {  	s10 =	sld [smem:$0x3FB7];
	_ =	sdelay $0x3  }
0x33: {  	p0 =	seq.s32 s10, $0x1;
	s10 =	sld [smem:$0x3FB9];
	_ =	sdelay $0x3  }
0x34: {  	[smem:$0x3FB9] =	sst s10  }
0x35: {  	s10 =	sld [smem:$0x3FB8];
	_ =	sdelay $0x3  }
0x36: {  	p1 =	seq.s32 s10, $0x1;
	s10 =	sld [smem:$0x3FB9];
	_ =	sdelay $0x3  }
0x37: {  	[smem:$0x3FB9] =	sst s10  }
0x38: {  	s10 =	sld [smem:$0x3FBA]  }
0x39: {  	_ = 	snop;
	(pc) =	sbr.ind lr, $3  }
0x3a: {  	_ = 	snop  }
0x3b: {  	_ = 	snop  }
0x3c: {  	p2 =	seq.s32 s10, $0x1;
	s10 =	sld [smem:$0x3FB9]  }
0x3d: {  	_ =	shalt  }
0x3e: {  	_ =	shalt  }
0x3f: {  	_ =	shalt  }
0x40: {  	_ =	shalt  }
0x41: {  	_ =	shalt  }
0x42: {  	_ =	shalt  }
0x43: {  	_ =	shalt  }
0x44: {  	_ =	shalt  }
0x45: {  	_ =	shalt  }
0x46: {  	_ =	shalt  }
0x47: {  	_ =	shalt  }
0x48: {  	_ =	shalt  }
0x49: {  	_ =	shalt  }
0x4a: {  	_ =	shalt  }
0x4b: {  	_ =	shalt  }
0x4c: {  	_ =	shalt  }
0x4d: {  	_ =	shalt  }
0x4e: {  	_ =	shalt  }
0x4f: {  	_ =	shalt  }
0x50: {  	_ =	shalt  }
0x51: {  	_ =	shalt  }
0x52: {  	_ =	shalt  }
0x53: {  	_ =	shalt  }
0x54: {  	_ =	shalt  }
0x55: {  	_ =	shalt  }
0x56: {  	_ =	shalt  }
0x57: {  	_ =	shalt  }
0x58: {  	_ =	shalt  }
0x59: {  	_ =	shalt  }
0x5a: {  	_ =	shalt  }
0x5b: {  	_ =	shalt  }
0x5c: {  	_ =	shalt  }
0x5d: {  	_ =	shalt  }
0x5e: {  	_ =	shalt  }
0x5f: {  	_ =	shalt  }
0x60: {  	_ =	shalt  }
0x61: {  	_ =	shalt  }
0x62: {  	_ =	shalt  }
0x63: {  	_ =	shalt  }
0x64: {  	_ =	shalt  }
0x65: {  	_ =	shalt  }
0x66: {  	_ =	shalt  }
0x67: {  	_ =	shalt  }
0x68: {  	_ =	shalt  }
0x69: {  	_ =	shalt  }
0x6a: {  	_ =	shalt  }
0x6b: {  	_ =	shalt  }
0x6c: {  	_ =	shalt  }
0x6d: {  	_ =	shalt  }
0x6e: {  	_ =	shalt  }
0x6f: {  	_ =	shalt  }
0x70: {  	_ =	shalt  }
0x71: {  	_ =	shalt  }
0x72: {  	_ =	shalt  }
0x73: {  	_ =	shalt  }
0x74: {  	_ =	shalt  }
0x75: {  	_ =	shalt  }
0x76: {  	_ =	shalt  }
0x77: {  	_ =	shalt  }
0x78: {  	_ =	shalt  }
0x79: {  	_ =	shalt  }
0x7a: {  	_ =	shalt  }
0x7b: {  	_ =	shalt  }
0x7c: {  	_ =	shalt  }
0x7d: {  	_ =	shalt  }
0x7e: {  	_ =	shalt  }
0x7f: {  	_ =	shalt  }
0x80: {  	_ =	shalt  }
0x81: {  	_ =	shalt  }
0x82: {  	_ =	shalt  }
0x83: {  	_ =	shalt  }
0x84: {  	_ =	shalt  }
0x85: {  	_ =	shalt  }
0x86: {  	_ =	shalt  }
0x87: {  	_ =	shalt  }
.Lfunc_end0:
.L_simem_size_0:
called_computation_lowered:
.L_overlay_start_0:
0x88: {  	s2 =	sld [smem:$0x3FD9]  }
0x89: {  	s3 =	sld [smem:$0x3FFE];
	_ =	sdelay $0x1  }
0x8a: {  	s1 =	srdreg.scid  }
0x8b: {  	s0 =	sand.u32 $0x1, s1  }
0x8c: {  	s15 =	sshll.u32 s0, $0xA;
	s2 =	sadd.s32 s3, s2  }
0x8d: {  	s2 =	sadd.s32 s2, s15  }
0x8e: {  	[smem:$0x3FC5] =	sst s2  }
0x8f: {  	_ = 	snop  }
0x90: {  	s2 =	sld [smem:$0x3FD0];
	_ =	sdelay $0x2  }
0x91: {  	s4 =	simm.s32 $0xA;
	s5 =	simm.s32 $0x10;
	s16 =	sld [smem:$0x3FC7]  }
0x92: {  	[smem:s5], [sflag:s4] =	dma.local [hbm:s2], $0x1  }
0x93: {  	_ =	swait.eq [sflag:s4], $0x1  }
0x94: {  	[sflag:s4] =	ssyncset.done $0x0  }
0x95: {  	s17 =	sld [smem:$0x11];
	[sflag:s4] =	ssyncadd.s32 $0xFFFFFFFF  }
0x96: {  	s18 =	sld [smem:$0x12];
	(tm) =	ssettm $0x1  }
0x97: {  	s19 =	sld [smem:$0x3FFB];
	_ =	sdelay $0x3  }
0x98: {  	_ =	strace s19  }
0x99: {  	s5 =	sld [smem:$0x3FFC];
	_ =	sdelay $0x3  }
0x9a: {  	_ =	strace s5  }
0x9b: {  	s5 =	sld [smem:$0x3FFD];
	_ =	sdelay $0x3  }
0x9c: {  	_ =	strace s5  }
0x9d: {  	_ =	strace $0x8FFFFFFF  }
0x9e: {  	s20 =	sld [smem:$0x3FDB];
	_ =	sdelay $0x1  }
0x9f: {  	s6 =	simm.s32 $_scs_section_size  }
0xa0: {  	s7 =	simm.s32 $_size__tile_overlayer_lowered;
	s8 =	simm.s32 $_tile_overlayer_lowered  }
0xa1: {  	s23 =	simm.s32 $0x1BFF;
	s22 =	sshll.u32 s8, $0x1;
	s5 =	sadd.s32 s6, s20  }
0xa2: {  	s9 =	simm.s32 $0x0;
	s21 =	sshll.u32 s7, $0x1;
	s7 =	sadd.s32 s22, s5  }
0xa3: {  	[timem:s9], [sflag:s23] =	dma.local [hbm:s7], s21  }
0xa4: {  	_ =	swait.ge [sflag:s23], s21  }
0xa5: {  	s6 =	ssub.s32 $0x0, s21;
	[sflag:s23] =	ssyncset.done $0x0  }
0xa6: {  	[sflag:s23] =	ssyncadd.s32 s6;
	_ =	sdelay $0x1  }
0xa7: {  	s24 =	simm.s32 $0x1B8B  }
0xa8: {  	_ =	swait.ge [sflag:s24], $0x1  }
0xa9: {  	[sflag:s24] =	ssyncset.done $0x0  }
0xaa: {  	s25 =	simm.s32 $0x1B8E;
	[sflag:s24] =	ssyncadd.s32 $0xFFFFFFFF  }
0xab: {  	s26 =	simm.s32 $execute0_lowered;
	[smem:$0x3FD2] =	sst s25  }
0xac: {  	s6 =	sshll.u32 s26, $0x1;
	_ =	strace $0x80000046;
	[dreg:$0x1] =	wrdreg $0xFFFFFFFF  }
0xad: {  	s28 =	simm.s32 $_size_execute0_lowered;
	s5 =	sadd.s32 s5, s6;
	[dreg:$0x0] =	wrdreg $0x0  }
0xae: {  	s6 =	sshll.u32 s28, $0x1;
	[dreg:$0x2] =	wrdreg s5  }
0xaf: {  	[dreg:$0x3] =	wrdreg s6  }
0xb0: {  	[dreg:$0x4] =	wrdreg $0xC0  }
0xb1: {  	_ =	task [dreg:s9], $0x5FFFF  }
0xb2: {  	[dreg:$0x1] =	wrdreg $0xFFFFFFFF  }
0xb3: {  	[dreg:$0x0] =	wrdreg $0x60  }
0xb4: {  	[dreg:$0x2] =	wrdreg s16  }
0xb5: {  	[dreg:$0x3] =	wrdreg s17  }
0xb6: {  	[dreg:$0x4] =	wrdreg s18  }
0xb7: {  	[dreg:$0x5] =	wrdreg $0x9  }
0xb8: {  	_ =	task.clear_ibuf [dreg:s9], $0x6FFFF;
	_ =	strace $0x90000046  }
0xb9: {  	s29 =	simm.s32 $0x9;
	_ =	strace $0x80000048  }
0xba: {  	_ =	swait.ge [sflag:s29], $0x1  }
0xbb: {  	[sflag:s29] =	ssyncadd.s32 $0xFFFFFFFF  }
0xbc: {  	_ =	strace $0x90000048  }
0xbd: {  	_ =	sfence  }
0xbe: {  	s30 =	sld [smem:$0x0];
	_ =	sdelay $0x2  }
0xbf: {  	s31 =	sshll.u32 s1, $0xD;
	s1 =	sshrl.u32 s1, $0x2  }
0xc0: {  	s3 =	sand.u32 $0x4000, s31;
	s1 =	sadd.s32 s1, s30  }
0xc1: {  	s0 =	sor.u32 s3, s0;
	s1 =	sshll.u32 s1, $0x11  }
0xc2: {  	s0 =	sor.u32 s1, s0  }
0xc3: {  	s0 =	sadd.s32 $0x8F2B, s0  }
0xc4: {  	[sflag:s0] =	ssyncadd.remote.s32 $0x1  }
0xc5: {  	_ =	sfence.sel $0xFFFF  }
0xc6: {  	[dreg:$0x0] =	wrdreg $0xFFFFFFFF;
	(pc) =	sbr.abs _section_cstart, $3  }
0xc7: {  	[dreg:$0x1] =	wrdreg $0xFFFFFFFF  }
0xc8: {  	_ =	task.clear_ibuf [dreg:s9], $0x2FFFF;
	_ =	strace $0x9FFFFFFF  }
0xc9: {  	(tm) =	ssettm $0x7FFFFFFF  }
tec
execute0_lowered:
.L_overlay_start_1:
0x0: {  	(tag) =	ssettag $0x1  }
0x1: {  	s6 =	rddreg [dreg:$0x0]  }
0x2: {  	s1 =	srdreg.scid;
	s2 =	rddreg [dreg:$0x1]  }
0x3: {  	s0 =	stileid.u32;
	s7 =	rddreg [dreg:$0x2];
	s3 =	simm.s32 $0x0  }
0x4: {  	s4 =	sand.u32 $0x1, s1;
	s31 =	sshll.u32 s0, $0x1;
	s1 =	rddreg [dreg:$0x3]  }
0x5: {  	[smem:$0x7FF] =	sst s3;
	s9 =	sor.u32 s4, s31;
	s4 =	ssub.s32 $0x2, s4  }
0x6: {  	_ =	strace $0x80000047;
	s10 =	smul.u32 $0x7A18, s9;
	s5 =	sshrl.u32 s4, $0x1  }
0x7: {  	p0 =	seq.s32 s9, $0x1F;
	s9 =	simm.s32 $0x7A80;
	s11 =	ssub.s32 s4, s5  }
0x8: {  	s8 =	sshrl.u32 s10, $0x3;
	s12 =	sadd.s32 $0x7A18, s10;
	s13 =	sadd.s32 $0x7958, s10  }
0x9: {  	v0 =	vmov s10;
	s10 =	simm.s32 $0x1;
	s4 =	sadd.s32 s6, s8;
	s5 =	sadd.s32 s7, s8  }
0xa: {  	s6 =	sadd.s32 $0x1D91D, s6;
	s7 =	sadd.s32 $0x1D91D, s7;
	s8 =	smax.u32 s11, $0x1;
	v1 =	vmov s12;
	v2 =	vmov s13  }
.LBB2_1:
0xb: {  	[tilespmem:s9], [sflag:$0x1] =	stream.linear.gather [hbm4b:s2+s3], $0x80, $0x38;
	[tilespmem:$0x7B00] =	vst v63  }
0xc: {  	_ =	swait.ge [sflag:s10], $0x80  }
0xd: {  	[sflag:s10] =	ssyncset.done $0x0  }
0xe: {  	s11 =	simm.s32 @p0 $0x0;
	s12 =	simm.s32 @p0 $0x1;
	[sflag:s10] =	ssyncadd.s32 $0xFFFFFF80  }
0xf: {  	[tilespmem:s11], [sflag:$0x1] =	stream.linear.gather @p0 [hbm4b:s6+s11], $0x7958, $0x38;
	[tilespmem:$0x7B00] =	vst v63  }
0x10: {  	_ =	swait.ge @p0 [sflag:s12], $0x7958  }
0x11: {  	[sflag:s12] =	ssyncset.done @p0 $0x0  }
0x12: {  	[sflag:s12] =	ssyncadd.s32 @p0 $0xFFFF86A8  }
0x13: {  	v3 =	vld @p0 [tilespmem:$0x7A80];
	_ =	sdelay $0x4  }
0x14: {  	vm0 =	vge.s32 @p0 v3, v0;
	vm1 =	vlt.s32 @p0 v3, v2  }
0x15: {  	v3 =	vsub.s32 @p0 v3, v0;
	vm0 =	vmand @p0 vm0, vm1  }
0x16: {  	v3 =	vnsel @p0 vm0, $0x0, v3;
	_ =	sdelay $0x3  }
0x17: {  	v4 =	vimm.f32 @p0 $1.000000000e+00  }
0x18: {  	[tilespmem:v3+s11+$0x0] =	vst.idx.add.f32.msk @p0 vm0, v4  }
0x19: {  	v3 =	vld @p0 [tilespmem:$0x7A90];
	_ =	sdelay $0x4  }
0x1a: {  	vm0 =	vge.s32 @p0 v3, v0;
	vm1 =	vlt.s32 @p0 v3, v2  }
0x1b: {  	v3 =	vsub.s32 @p0 v3, v0;
	vm0 =	vmand @p0 vm0, vm1  }
0x1c: {  	v3 =	vnsel @p0 vm0, $0x0, v3;
	_ =	sdelay $0x4  }
0x1d: {  	[tilespmem:v3+s11+$0x0] =	vst.idx.add.f32.msk @p0 vm0, v4  }
0x1e: {  	[hbm4b:s7+s11] =	stream.linear.scatter @p0 [tilespmem:s11], [sflag:$0x1], $0x7958, $0x38;
	[tilespmem:$0x7B00] =	vst v63  }
0x1f: {  	_ =	swait.ge @p0 [sflag:s12], $0x7958  }
0x20: {  	[sflag:s12] =	ssyncset.done @p0 $0x0  }
0x21: {  	s11 =	simm.s32 @!p0 $0x0;
	[sflag:s12] =	ssyncadd.s32 @p0 $0xFFFF86A8;
	s12 =	simm.s32 @!p0 $0x1  }
0x22: {  	[tilespmem:s11], [sflag:$0x1] =	stream.linear.gather @!p0 [hbm4b:s4+s11], $0x7A18, $0x38;
	[tilespmem:$0x7B00] =	vst v63  }
0x23: {  	_ =	swait.ge @!p0 [sflag:s12], $0x7A18  }
0x24: {  	[sflag:s12] =	ssyncset.done @!p0 $0x0  }
0x25: {  	[sflag:s12] =	ssyncadd.s32 @!p0 $0xFFFF85E8  }
0x26: {  	v3 =	vld @!p0 [tilespmem:$0x7A80];
	_ =	sdelay $0x4  }
0x27: {  	vm0 =	vge.s32 @!p0 v3, v0;
	vm1 =	vlt.s32 @!p0 v3, v1  }
0x28: {  	v3 =	vsub.s32 @!p0 v3, v0;
	vm0 =	vmand @!p0 vm0, vm1  }
0x29: {  	v3 =	vnsel @!p0 vm0, $0x0, v3;
	_ =	sdelay $0x3  }
0x2a: {  	v4 =	vimm.f32 @!p0 $1.000000000e+00  }
0x2b: {  	[tilespmem:v3+s11+$0x0] =	vst.idx.add.f32.msk @!p0 vm0, v4  }
0x2c: {  	v3 =	vld @!p0 [tilespmem:$0x7A90];
	_ =	sdelay $0x4  }
0x2d: {  	vm0 =	vge.s32 @!p0 v3, v0;
	vm1 =	vlt.s32 @!p0 v3, v1  }
0x2e: {  	v3 =	vsub.s32 @!p0 v3, v0;
	vm0 =	vmand @!p0 vm0, vm1  }
0x2f: {  	v3 =	vnsel @!p0 vm0, $0x0, v3;
	_ =	sdelay $0x2  }
0x30: {  	s8 =	sadd.s32 $0xFFFFFFFF, s8  }
0x31: {  	p1 =	sne.s32 s8, $0x0  }
.Ltmp0:
0x32: {  	[tilespmem:v3+s11+$0x0] =	vst.idx.add.f32.msk @!p0 vm0, v4;
	(pc) =	sbr.rel @p1 .LBB2_1-.Ltmp0, $4  }
0x33: {  	[hbm4b:s5+s11] =	stream.linear.scatter @!p0 [tilespmem:s11], [sflag:$0x1], $0x7A18, $0x38;
	[tilespmem:$0x7B00] =	vst v63  }
0x34: {  	_ =	swait.ge @!p0 [sflag:s12], $0x7A18  }
0x35: {  	[sflag:s12] =	ssyncset.done @!p0 $0x0  }
0x36: {  	[sflag:s12] =	ssyncadd.s32 @!p0 $0xFFFF85E8  }
0x37: {  	_ =	sfence.sel $0x180000  }
0x38: {  	[bflag:$0x0] =	sbarrier.arrive $0xFFFF  }
0x39: {  	p0 =	sne.s32 s0, $0x0;
	_ =	strace $0x90000047  }
0x3a: {  	s0 =	sadd.s32 @!p0 $0x100000, s1;
	[bflag:$0x2] =	sbarrier.arrive $0xFFFF  }
0x3b: {  	[sflag:s0] =	ssyncadd.tile.s32 @!p0 $0x1;
	_ =	shalt  }
.Lfunc_end2:
_tile_overlayer_lowered:
.L_overlay_start_2:
0x3c: {  	(tag) =	ssettag $0x2  }
0x3d: {  	s0 =	rddreg [dreg:$0x0];
	s2 =	stileid.u32  }
0x3e: {  	s1 =	rddreg [dreg:$0x1];
	p0 =	sne.s32 s2, $0x0  }
0x3f: {  	s3 =	rddreg [dreg:$0x2];
	[bflag:$0x3] =	sbarrier.arrive $0xFFFF;
	s2 =	simm.s32 @!p0 $0x1C01  }
0x40: {  	[timem:s3], [sflag:s2] =	dma.local @!p0 [hbm:s0], s1  }
0x41: {  	s0 =	simm.s32 @!p0 $0x1  }
0x42: {  	_ =	swait.ge @!p0 [sflag:s0], s1  }
0x43: {  	s1 =	ssub.s32 @!p0 $0x0, s1;
	[sflag:s0] =	ssyncset.done @!p0 $0x0  }
0x44: {  	[sflag:s0] =	ssyncadd.s32 @!p0 s1  }
0x45: {  	[bflag:$0x3] =	sbarrier.arrive $0xFFFF  }
0x46: {  	_ =	shalt  }

</sc_bundles>
